<compile_context>
chip_gen: v7x
topology: tpu7x:2x2x1
jax: 0.10.2.dev20260603
libtpu: 0.0.44.dev20260713+nightly
codegen_flags: <defaults>
</compile_context>

<pallas_src>
import functools

import jax
import jax.numpy as jnp
from jax import lax
from jax.experimental import pallas as pl
from jax.experimental.pallas import tpu as pltpu
from jax.experimental.pallas import tpu_sc as plsc

_D = 64
_V = 6
_GRP = 16
_SB = 1
_DB = 8
_BB = 4096


def _bcast_gather(src, idx):
    return lax.gather(
        src, idx.reshape(_GRP, 1),
        lax.GatherDimensionNumbers(
            offset_dims=(), collapsed_slice_dims=(0,), start_index_map=(0,)),
        (1,),
        mode=lax.GatherScatterMode.PROMISE_IN_BOUNDS)


@functools.cache
def _build(NB: int, S: int):
    info = plsc.get_sparse_core_info()
    nw = info.num_cores * info.num_subcores
    n_units = (S // _SB) * (_D // _DB) * (NB // _BB)
    u_per_w = n_units // nw
    n_grp = _SB * (_BB // _GRP)
    assert n_units % nw == 0 and u_per_w % 2 == 0
    mesh = plsc.VectorSubcoreMesh(core_axis_name="c", subcore_axis_name="s")

    def decode(u):
        s_hi = u // ((_D // _DB) * (NB // _BB))
        rem = u % ((_D // _DB) * (NB // _BB))
        d_hi = rem // (NB // _BB)
        q = rem % (NB // _BB)
        return s_hi, d_hi, q

    @functools.partial(
        pl.kernel,
        mesh=mesh,
        out_type=jax.ShapeDtypeStruct((S, _D, NB), jnp.float32),
        scratch_types=[
            pltpu.VMEM((_D * _GRP,), jnp.float32),
            pltpu.VMEM((2, _SB, _BB), jnp.int32),
            pltpu.VMEM((2, _SB, _DB, _BB), jnp.float32),
            pltpu.SemaphoreType.DMA,
            pltpu.SemaphoreType.DMA,
            pltpu.SemaphoreType.DMA,
            pltpu.SemaphoreType.DMA,
        ],
        compiler_params=pltpu.CompilerParams(needs_layout_passes=False),
    )
    def k(tcm_hbm, ids_hbm, out_hbm, tcm_v, ids_v, rows_v, i0, i1, o0, o1):
        isem = (i0, i1)
        osem = (o0, o1)
        wid = lax.axis_index("s") * info.num_cores + lax.axis_index("c")
        pltpu.sync_copy(tcm_hbm, tcm_v)

        def ids_copy(u, b):
            s_hi, _, q = decode(u)
            return pltpu.make_async_copy(
                ids_hbm.at[pl.ds(s_hi * _SB, _SB), pl.ds(q * _BB, _BB)],
                ids_v.at[b], isem[b])

        def out_copy(u, b):
            s_hi, d_hi, q = decode(u)
            return pltpu.make_async_copy(
                rows_v.at[b],
                out_hbm.at[pl.ds(s_hi * _SB, _SB), pl.ds(d_hi * _DB, _DB),
                           pl.ds(q * _BB, _BB)], osem[b])

        ids_copy(wid, 0).start()

        def body(g, carry):
            for b in range(2):
                t = 2 * g + b
                u = wid + nw * t
                _, d_hi, _ = decode(u)

                @pl.when(t + 1 < u_per_w)
                def _prefetch():
                    ids_copy(wid + nw * (t + 1), 1 - b).start()

                ids_copy(u, b).wait()

                @pl.when(g > 0)
                def _wait_prev():
                    out_copy(wid + nw * (t - 2), b).wait()

                cols = [tcm_v[pl.ds((d_hi * _DB + dl) * _GRP, _GRP)]
                        for dl in range(_DB)]

                def grp(i, carry2):
                    s_lo = i // (_BB // _GRP)
                    gg = i % (_BB // _GRP)
                    v_ids = ids_v[b, s_lo, pl.ds(gg * _GRP, _GRP)]
                    for dl in range(_DB):
                        vals = _bcast_gather(cols[dl], v_ids)
                        rows_v[b, s_lo, dl, pl.ds(gg * _GRP, _GRP)] = vals
                    return carry2

                lax.fori_loop(0, n_grp, grp, 0)
                out_copy(u, b).start()
            return carry

        lax.fori_loop(0, u_per_w // 2, body, 0)
        for b in range(2):
            t = u_per_w - 2 + b
            out_copy(wid + nw * t, b).wait()

    return k


def kernel(tone_ids, embed_weight):
    b, s = tone_ids.shape
    tcm = jnp.zeros((_D, _GRP), jnp.float32)
    tcm = tcm.at[:, :_V].set(embed_weight.T).reshape(-1)
    out = _build(b, s)(tcm, tone_ids.T.astype(jnp.int32))
    return out.transpose(2, 0, 1)

# --- scband reference (transcript-rebuilt; emitter-appended) ---
"""Pipeline reference for scband-tone-embedding-layer-51908974739513 (READ-ONLY COPY).

The authoritative reference and input builder live on the scoring server;
editing this copy changes nothing except your own understanding.
"""

import jax, jax.numpy as jnp
import numpy as np

NUM_TONES = 6
TONE_EMBED_DIM = 64

def setup_inputs(seed: int = 0) -> dict:
    key = jax.random.key(seed)
    k1, k2 = jax.random.split(key)
    tone_ids = jax.random.randint(k1, (4096, 200), 0, NUM_TONES, dtype=jnp.int64)
    embed_weight = jax.random.normal(k2, (NUM_TONES, TONE_EMBED_DIM), dtype=jnp.float32) * 0.1
    return {"tone_ids": tone_ids, "embed_weight": embed_weight}

def reference(tone_ids, embed_weight):
    # nn.Embedding lookup: (B, seq_len) -> (B, seq_len, tone_embed_dim)
    return jnp.take(embed_weight, tone_ids, axis=0)

if __name__ == "__main__":
    import jax
    _d = setup_inputs()
    print(jax.jit(kernel)(*tuple(_d.values())))

</pallas_src>

<mosaic_0001>
#map = affine_map<(d0, d1) -> (0)>
#map1 = affine_map<(d0, d1) -> (0, 0)>
#map2 = affine_map<(d0, d1) -> (0, 0, 0)>
module attributes {stable_mosaic.version = 14 : i64} {
  func.func @k(%arg0: i32, %arg1: i32, %arg2: memref<1024xf32, #tpu.memory_space<hbm>>, %arg3: memref<200x4096xi32, #tpu.memory_space<hbm>>, %arg4: memref<200x64x4096xf32, #tpu.memory_space<hbm>>, %arg5: memref<1024xf32, #tpu.memory_space<vmem>>, %arg6: memref<2x1x4096xi32, #tpu.memory_space<vmem>>, %arg7: memref<2x1x8x4096xf32, #tpu.memory_space<vmem>>, %arg8: memref<!tpu.dma_semaphore, #tpu.memory_space<semaphore_mem>>, %arg9: memref<!tpu.dma_semaphore, #tpu.memory_space<semaphore_mem>>, %arg10: memref<!tpu.dma_semaphore, #tpu.memory_space<semaphore_mem>>, %arg11: memref<!tpu.dma_semaphore, #tpu.memory_space<semaphore_mem>>) attributes {dimension_semantics = [#tpu.dimension_semantics<core_parallel>, #tpu.dimension_semantics<subcore_parallel>], iteration_bounds = array<i64: 2, 16>, scalar_prefetch = 0 : i64, scratch_operands = 7 : i64, tpu.core_type = #tpu.core_type<sc_vector_subcore>, window_params = [{transform_indices = #map}, {transform_indices = #map1}, {transform_indices = #map2}]} {
    %mul3A = arith.constant 2 : i32
    %mul3A_0 = arith.muli %arg1, %mul3A : i32
    %add3A = arith.addi %mul3A_0, %arg0 : i32
    "tpu.region"() ({
      %run_scoped3A = tpu.sem_alloc : memref<!tpu.dma_semaphore, #tpu.memory_space<semaphore_mem>>
      tpu.enqueue_dma source(%arg2 : memref<1024xf32, #tpu.memory_space<hbm>>) target(%arg5 : memref<1024xf32, #tpu.memory_space<vmem>>) target_semaphore(%run_scoped3A : memref<!tpu.dma_semaphore, #tpu.memory_space<semaphore_mem>>)
      tpu.wait_dma2 semaphore(%run_scoped3A : memref<!tpu.dma_semaphore, #tpu.memory_space<semaphore_mem>>) src(%arg2 : memref<1024xf32, #tpu.memory_space<hbm>>) dst(%arg5 : memref<1024xf32, #tpu.memory_space<vmem>>)
      tpu.yield
    }) : () -> ()
    %jit3A = arith.constant 8 : i32
    %div3A = arith.divsi %add3A, %jit3A : i32
    %sign3A = arith.constant 0 : i32
    %sign3A_1 = arith.cmpi sgt, %add3A, %sign3A : i32
    %sign3A_2 = arith.extui %sign3A_1 : i1 to i32
    %sign3A_3 = arith.constant 0 : i32
    %sign3A_4 = arith.cmpi slt, %add3A, %sign3A_3 : i32
    %sign3A_5 = arith.extui %sign3A_4 : i1 to i32
    %sign3A_6 = arith.subi %sign3A_2, %sign3A_5 : i32
    %sign3A_7 = arith.constant 0 : i32
    %sign3A_8 = arith.cmpi sgt, %jit3A, %sign3A_7 : i32
    %sign3A_9 = arith.extui %sign3A_8 : i1 to i32
    %sign3A_10 = arith.constant 0 : i32
    %sign3A_11 = arith.cmpi slt, %jit3A, %sign3A_10 : i32
    %sign3A_12 = arith.extui %sign3A_11 : i1 to i32
    %sign3A_13 = arith.subi %sign3A_9, %sign3A_12 : i32
    %ne3A = arith.cmpi ne, %sign3A_6, %sign3A_13 : i32
    %rem3A = arith.remsi %add3A, %jit3A : i32
    %ne3A_14 = arith.constant 0 : i32
    %ne3A_15 = arith.cmpi ne, %rem3A, %ne3A_14 : i32
    %and3A = arith.andi %ne3A, %ne3A_15 : i1
    %sub3A = arith.constant 1 : i32
    %sub3A_16 = arith.subi %div3A, %sub3A : i32
    %select_n3A = arith.select %and3A, %sub3A_16, %div3A : i32
    %jit3A_17 = arith.constant 8 : i32
    %eq3A = arith.constant 0 : i32
    %eq3A_18 = arith.cmpi eq, %jit3A_17, %eq3A : i32
    %jit3A_19 = arith.constant 1 : i32
    %select_n3A_20 = arith.select %eq3A_18, %jit3A_19, %jit3A_17 : i32
    %rem3A_21 = arith.remsi %add3A, %select_n3A_20 : i32
    %ne3A_22 = arith.constant 0 : i32
    %ne3A_23 = arith.cmpi ne, %rem3A_21, %ne3A_22 : i32
    %lt3A = arith.constant 0 : i32
    %lt3A_24 = arith.cmpi slt, %rem3A_21, %lt3A : i32
    %lt3A_25 = arith.constant 0 : i32
    %lt3A_26 = arith.cmpi slt, %select_n3A_20, %lt3A_25 : i32
    %ne3A_27 = arith.xori %lt3A_24, %lt3A_26 : i1
    %and3A_28 = arith.andi %ne3A_27, %ne3A_23 : i1
    %add3A_29 = arith.addi %rem3A_21, %select_n3A_20 : i32
    %select_n3A_30 = arith.select %and3A_28, %add3A_29, %rem3A_21 : i32
    %jit3A_31 = arith.constant 1 : i32
    %div3A_32 = arith.divsi %select_n3A_30, %jit3A_31 : i32
    %sign3A_33 = arith.constant 0 : i32
    %sign3A_34 = arith.cmpi sgt, %select_n3A_30, %sign3A_33 : i32
    %sign3A_35 = arith.extui %sign3A_34 : i1 to i32
    %sign3A_36 = arith.constant 0 : i32
    %sign3A_37 = arith.cmpi slt, %select_n3A_30, %sign3A_36 : i32
    %sign3A_38 = arith.extui %sign3A_37 : i1 to i32
    %sign3A_39 = arith.subi %sign3A_35, %sign3A_38 : i32
    %sign3A_40 = arith.constant 0 : i32
    %sign3A_41 = arith.cmpi sgt, %jit3A_31, %sign3A_40 : i32
    %sign3A_42 = arith.extui %sign3A_41 : i1 to i32
    %sign3A_43 = arith.constant 0 : i32
    %sign3A_44 = arith.cmpi slt, %jit3A_31, %sign3A_43 : i32
    %sign3A_45 = arith.extui %sign3A_44 : i1 to i32
    %sign3A_46 = arith.subi %sign3A_42, %sign3A_45 : i32
    %ne3A_47 = arith.cmpi ne, %sign3A_39, %sign3A_46 : i32
    %rem3A_48 = arith.remsi %select_n3A_30, %jit3A_31 : i32
    %ne3A_49 = arith.constant 0 : i32
    %ne3A_50 = arith.cmpi ne, %rem3A_48, %ne3A_49 : i32
    %and3A_51 = arith.andi %ne3A_47, %ne3A_50 : i1
    %sub3A_52 = arith.constant 1 : i32
    %sub3A_53 = arith.subi %div3A_32, %sub3A_52 : i32
    %select_n3A_54 = arith.select %and3A_51, %sub3A_53, %div3A_32 : i32
    %jit3A_55 = arith.constant 1 : i32
    %eq3A_56 = arith.constant 0 : i32
    %eq3A_57 = arith.cmpi eq, %jit3A_55, %eq3A_56 : i32
    %jit3A_58 = arith.constant 1 : i32
    %select_n3A_59 = arith.select %eq3A_57, %jit3A_58, %jit3A_55 : i32
    %rem3A_60 = arith.remsi %select_n3A_30, %select_n3A_59 : i32
    %ne3A_61 = arith.constant 0 : i32
    %ne3A_62 = arith.cmpi ne, %rem3A_60, %ne3A_61 : i32
    %lt3A_63 = arith.constant 0 : i32
    %lt3A_64 = arith.cmpi slt, %rem3A_60, %lt3A_63 : i32
    %lt3A_65 = arith.constant 0 : i32
    %lt3A_66 = arith.cmpi slt, %select_n3A_59, %lt3A_65 : i32
    %ne3A_67 = arith.xori %lt3A_64, %lt3A_66 : i1
    %and3A_68 = arith.andi %ne3A_67, %ne3A_62 : i1
    %add3A_69 = arith.addi %rem3A_60, %select_n3A_59 : i32
    %select_n3A_70 = arith.select %and3A_68, %add3A_69, %rem3A_60 : i32
    %mul3A_71 = arith.constant 1 : i32
    %mul3A_72 = arith.muli %select_n3A, %mul3A_71 : i32
    %mul3A_73 = arith.constant 4096 : i32
    %mul3A_74 = arith.muli %select_n3A_70, %mul3A_73 : i32
    %dma_start3A = arith.constant 0 : i32
    %dma_start3A_75 = arith.constant 0 : i32
    %dma_start3A_76 = arith.constant 0 : i32
    %dma_start3A_77 = tpu.memref_slice %arg6[%dma_start3A, %dma_start3A_75, %dma_start3A_76] : memref<2x1x4096xi32, #tpu.memory_space<vmem>> -> memref<1x1x4096xi32, #tpu.memory_space<vmem>>
    %dma_start3A_78 = tpu.memref_squeeze %dma_start3A_77 : memref<1x1x4096xi32, #tpu.memory_space<vmem>> -> memref<1x4096xi32, #tpu.memory_space<vmem>>
    %dma_start3A_79 = tpu.memref_slice %arg3[%mul3A_72, %mul3A_74] : memref<200x4096xi32, #tpu.memory_space<hbm>> -> memref<1x4096xi32, #tpu.memory_space<hbm>>
    %dma_start3A_80 = arith.constant 0 : i32
    %dma_start3A_81 = arith.constant 0 : i32
    %dma_start3A_82 = tpu.memref_slice %arg6[%dma_start3A, %dma_start3A_80, %dma_start3A_81] : memref<2x1x4096xi32, #tpu.memory_space<vmem>> -> memref<1x1x4096xi32, #tpu.memory_space<vmem>>
    %dma_start3A_83 = tpu.memref_squeeze %dma_start3A_82 : memref<1x1x4096xi32, #tpu.memory_space<vmem>> -> memref<1x4096xi32, #tpu.memory_space<vmem>>
    %dma_start3A_84 = tpu.memref_slice %arg3[%mul3A_72, %mul3A_74] : memref<200x4096xi32, #tpu.memory_space<hbm>> -> memref<1x4096xi32, #tpu.memory_space<hbm>>
    tpu.enqueue_dma source(%dma_start3A_84 : memref<1x4096xi32, #tpu.memory_space<hbm>>) target(%dma_start3A_83 : memref<1x4096xi32, #tpu.memory_space<vmem>>) target_semaphore(%arg8 : memref<!tpu.dma_semaphore, #tpu.memory_space<semaphore_mem>>)
    %scan3A = arith.constant 0 : i32
    %scan3A_85 = arith.constant 0 : i32
    %scan3A_86 = arith.constant 25 : i32
    %scan3A_87 = arith.addi %scan3A_85, %scan3A_86 : i32
    %scan3A_88 = arith.constant 1 : i32
    scf.for %scan3A_291 = %scan3A_85 to %scan3A_87 step %scan3A_88  : i32 {
      %mul3A_292 = arith.constant 2 : i32
      %mul3A_293 = arith.muli %mul3A_292, %scan3A_291 : i32
      %add3A_294 = arith.constant 0 : i32
      %add3A_295 = arith.addi %mul3A_293, %add3A_294 : i32
      %mul3A_296 = arith.constant 32 : i32
      %mul3A_297 = arith.muli %mul3A_296, %add3A_295 : i32
      %add3A_298 = arith.addi %add3A, %mul3A_297 : i32
      %jit3A_299 = arith.constant 8 : i32
      %div3A_300 = arith.divsi %add3A_298, %jit3A_299 : i32
      %sign3A_301 = arith.constant 0 : i32
      %sign3A_302 = arith.cmpi sgt, %add3A_298, %sign3A_301 : i32
      %sign3A_303 = arith.extui %sign3A_302 : i1 to i32
      %sign3A_304 = arith.constant 0 : i32
      %sign3A_305 = arith.cmpi slt, %add3A_298, %sign3A_304 : i32
      %sign3A_306 = arith.extui %sign3A_305 : i1 to i32
      %sign3A_307 = arith.subi %sign3A_303, %sign3A_306 : i32
      %sign3A_308 = arith.constant 0 : i32
      %sign3A_309 = arith.cmpi sgt, %jit3A_299, %sign3A_308 : i32
      %sign3A_310 = arith.extui %sign3A_309 : i1 to i32
      %sign3A_311 = arith.constant 0 : i32
      %sign3A_312 = arith.cmpi slt, %jit3A_299, %sign3A_311 : i32
      %sign3A_313 = arith.extui %sign3A_312 : i1 to i32
      %sign3A_314 = arith.subi %sign3A_310, %sign3A_313 : i32
      %ne3A_315 = arith.cmpi ne, %sign3A_307, %sign3A_314 : i32
      %rem3A_316 = arith.remsi %add3A_298, %jit3A_299 : i32
      %ne3A_317 = arith.constant 0 : i32
      %ne3A_318 = arith.cmpi ne, %rem3A_316, %ne3A_317 : i32
      %and3A_319 = arith.andi %ne3A_315, %ne3A_318 : i1
      %sub3A_320 = arith.constant 1 : i32
      %sub3A_321 = arith.subi %div3A_300, %sub3A_320 : i32
      %select_n3A_322 = arith.select %and3A_319, %sub3A_321, %div3A_300 : i32
      %jit3A_323 = arith.constant 8 : i32
      %eq3A_324 = arith.constant 0 : i32
      %eq3A_325 = arith.cmpi eq, %jit3A_323, %eq3A_324 : i32
      %jit3A_326 = arith.constant 1 : i32
      %select_n3A_327 = arith.select %eq3A_325, %jit3A_326, %jit3A_323 : i32
      %rem3A_328 = arith.remsi %add3A_298, %select_n3A_327 : i32
      %ne3A_329 = arith.constant 0 : i32
      %ne3A_330 = arith.cmpi ne, %rem3A_328, %ne3A_329 : i32
      %lt3A_331 = arith.constant 0 : i32
      %lt3A_332 = arith.cmpi slt, %rem3A_328, %lt3A_331 : i32
      %lt3A_333 = arith.constant 0 : i32
      %lt3A_334 = arith.cmpi slt, %select_n3A_327, %lt3A_333 : i32
      %ne3A_335 = arith.xori %lt3A_332, %lt3A_334 : i1
      %and3A_336 = arith.andi %ne3A_335, %ne3A_330 : i1
      %add3A_337 = arith.addi %rem3A_328, %select_n3A_327 : i32
      %select_n3A_338 = arith.select %and3A_336, %add3A_337, %rem3A_328 : i32
      %jit3A_339 = arith.constant 1 : i32
      %div3A_340 = arith.divsi %select_n3A_338, %jit3A_339 : i32
      %sign3A_341 = arith.constant 0 : i32
      %sign3A_342 = arith.cmpi sgt, %select_n3A_338, %sign3A_341 : i32
      %sign3A_343 = arith.extui %sign3A_342 : i1 to i32
      %sign3A_344 = arith.constant 0 : i32
      %sign3A_345 = arith.cmpi slt, %select_n3A_338, %sign3A_344 : i32
      %sign3A_346 = arith.extui %sign3A_345 : i1 to i32
      %sign3A_347 = arith.subi %sign3A_343, %sign3A_346 : i32
      %sign3A_348 = arith.constant 0 : i32
      %sign3A_349 = arith.cmpi sgt, %jit3A_339, %sign3A_348 : i32
      %sign3A_350 = arith.extui %sign3A_349 : i1 to i32
      %sign3A_351 = arith.constant 0 : i32
      %sign3A_352 = arith.cmpi slt, %jit3A_339, %sign3A_351 : i32
      %sign3A_353 = arith.extui %sign3A_352 : i1 to i32
      %sign3A_354 = arith.subi %sign3A_350, %sign3A_353 : i32
      %ne3A_355 = arith.cmpi ne, %sign3A_347, %sign3A_354 : i32
      %rem3A_356 = arith.remsi %select_n3A_338, %jit3A_339 : i32
      %ne3A_357 = arith.constant 0 : i32
      %ne3A_358 = arith.cmpi ne, %rem3A_356, %ne3A_357 : i32
      %and3A_359 = arith.andi %ne3A_355, %ne3A_358 : i1
      %sub3A_360 = arith.constant 1 : i32
      %sub3A_361 = arith.subi %div3A_340, %sub3A_360 : i32
      %select_n3A_362 = arith.select %and3A_359, %sub3A_361, %div3A_340 : i32
      %jit3A_363 = arith.constant 1 : i32
      %eq3A_364 = arith.constant 0 : i32
      %eq3A_365 = arith.cmpi eq, %jit3A_363, %eq3A_364 : i32
      %jit3A_366 = arith.constant 1 : i32
      %select_n3A_367 = arith.select %eq3A_365, %jit3A_366, %jit3A_363 : i32
      %rem3A_368 = arith.remsi %select_n3A_338, %select_n3A_367 : i32
      %ne3A_369 = arith.constant 0 : i32
      %ne3A_370 = arith.cmpi ne, %rem3A_368, %ne3A_369 : i32
      %lt3A_371 = arith.constant 0 : i32
      %lt3A_372 = arith.cmpi slt, %rem3A_368, %lt3A_371 : i32
      %lt3A_373 = arith.constant 0 : i32
      %lt3A_374 = arith.cmpi slt, %select_n3A_367, %lt3A_373 : i32
      %ne3A_375 = arith.xori %lt3A_372, %lt3A_374 : i1
      %and3A_376 = arith.andi %ne3A_375, %ne3A_370 : i1
      %add3A_377 = arith.addi %rem3A_368, %select_n3A_367 : i32
      %select_n3A_378 = arith.select %and3A_376, %add3A_377, %rem3A_368 : i32
      %add3A_379 = arith.constant 1 : i32
      %add3A_380 = arith.addi %add3A_295, %add3A_379 : i32
      %lt3A_381 = arith.constant 50 : i32
      %lt3A_382 = arith.cmpi slt, %add3A_380, %lt3A_381 : i32
      %convert_element_type3A = arith.extui %lt3A_382 : i1 to i32
      %cond3A = arith.constant 0 : i32
      %cond3A_383 = arith.cmpi ne, %convert_element_type3A, %cond3A : i32
      scf.if %cond3A_383 {
        %add3A_1014 = arith.constant 1 : i32
        %add3A_1015 = arith.addi %add3A_295, %add3A_1014 : i32
        %mul3A_1016 = arith.constant 32 : i32
        %mul3A_1017 = arith.muli %mul3A_1016, %add3A_1015 : i32
        %add3A_1018 = arith.addi %add3A, %mul3A_1017 : i32
        %jit3A_1019 = arith.constant 8 : i32
        %div3A_1020 = arith.divsi %add3A_1018, %jit3A_1019 : i32
        %sign3A_1021 = arith.constant 0 : i32
        %sign3A_1022 = arith.cmpi sgt, %add3A_1018, %sign3A_1021 : i32
        %sign3A_1023 = arith.extui %sign3A_1022 : i1 to i32
        %sign3A_1024 = arith.constant 0 : i32
        %sign3A_1025 = arith.cmpi slt, %add3A_1018, %sign3A_1024 : i32
        %sign3A_1026 = arith.extui %sign3A_1025 : i1 to i32
        %sign3A_1027 = arith.subi %sign3A_1023, %sign3A_1026 : i32
        %sign3A_1028 = arith.constant 0 : i32
        %sign3A_1029 = arith.cmpi sgt, %jit3A_1019, %sign3A_1028 : i32
        %sign3A_1030 = arith.extui %sign3A_1029 : i1 to i32
        %sign3A_1031 = arith.constant 0 : i32
        %sign3A_1032 = arith.cmpi slt, %jit3A_1019, %sign3A_1031 : i32
        %sign3A_1033 = arith.extui %sign3A_1032 : i1 to i32
        %sign3A_1034 = arith.subi %sign3A_1030, %sign3A_1033 : i32
        %ne3A_1035 = arith.cmpi ne, %sign3A_1027, %sign3A_1034 : i32
        %rem3A_1036 = arith.remsi %add3A_1018, %jit3A_1019 : i32
        %ne3A_1037 = arith.constant 0 : i32
        %ne3A_1038 = arith.cmpi ne, %rem3A_1036, %ne3A_1037 : i32
        %and3A_1039 = arith.andi %ne3A_1035, %ne3A_1038 : i1
        %sub3A_1040 = arith.constant 1 : i32
        %sub3A_1041 = arith.subi %div3A_1020, %sub3A_1040 : i32
        %select_n3A_1042 = arith.select %and3A_1039, %sub3A_1041, %div3A_1020 : i32
        %jit3A_1043 = arith.constant 8 : i32
        %eq3A_1044 = arith.constant 0 : i32
        %eq3A_1045 = arith.cmpi eq, %jit3A_1043, %eq3A_1044 : i32
        %jit3A_1046 = arith.constant 1 : i32
        %select_n3A_1047 = arith.select %eq3A_1045, %jit3A_1046, %jit3A_1043 : i32
        %rem3A_1048 = arith.remsi %add3A_1018, %select_n3A_1047 : i32
        %ne3A_1049 = arith.constant 0 : i32
        %ne3A_1050 = arith.cmpi ne, %rem3A_1048, %ne3A_1049 : i32
        %lt3A_1051 = arith.constant 0 : i32
        %lt3A_1052 = arith.cmpi slt, %rem3A_1048, %lt3A_1051 : i32
        %lt3A_1053 = arith.constant 0 : i32
        %lt3A_1054 = arith.cmpi slt, %select_n3A_1047, %lt3A_1053 : i32
        %ne3A_1055 = arith.xori %lt3A_1052, %lt3A_1054 : i1
        %and3A_1056 = arith.andi %ne3A_1055, %ne3A_1050 : i1
        %add3A_1057 = arith.addi %rem3A_1048, %select_n3A_1047 : i32
        %select_n3A_1058 = arith.select %and3A_1056, %add3A_1057, %rem3A_1048 : i32
        %jit3A_1059 = arith.constant 1 : i32
        %div3A_1060 = arith.divsi %select_n3A_1058, %jit3A_1059 : i32
        %sign3A_1061 = arith.constant 0 : i32
        %sign3A_1062 = arith.cmpi sgt, %select_n3A_1058, %sign3A_1061 : i32
        %sign3A_1063 = arith.extui %sign3A_1062 : i1 to i32
        %sign3A_1064 = arith.constant 0 : i32
        %sign3A_1065 = arith.cmpi slt, %select_n3A_1058, %sign3A_1064 : i32
        %sign3A_1066 = arith.extui %sign3A_1065 : i1 to i32
        %sign3A_1067 = arith.subi %sign3A_1063, %sign3A_1066 : i32
        %sign3A_1068 = arith.constant 0 : i32
        %sign3A_1069 = arith.cmpi sgt, %jit3A_1059, %sign3A_1068 : i32
        %sign3A_1070 = arith.extui %sign3A_1069 : i1 to i32
        %sign3A_1071 = arith.constant 0 : i32
        %sign3A_1072 = arith.cmpi slt, %jit3A_1059, %sign3A_1071 : i32
        %sign3A_1073 = arith.extui %sign3A_1072 : i1 to i32
        %sign3A_1074 = arith.subi %sign3A_1070, %sign3A_1073 : i32
        %ne3A_1075 = arith.cmpi ne, %sign3A_1067, %sign3A_1074 : i32
        %rem3A_1076 = arith.remsi %select_n3A_1058, %jit3A_1059 : i32
        %ne3A_1077 = arith.constant 0 : i32
        %ne3A_1078 = arith.cmpi ne, %rem3A_1076, %ne3A_1077 : i32
        %and3A_1079 = arith.andi %ne3A_1075, %ne3A_1078 : i1
        %sub3A_1080 = arith.constant 1 : i32
        %sub3A_1081 = arith.subi %div3A_1060, %sub3A_1080 : i32
        %select_n3A_1082 = arith.select %and3A_1079, %sub3A_1081, %div3A_1060 : i32
        %jit3A_1083 = arith.constant 1 : i32
        %eq3A_1084 = arith.constant 0 : i32
        %eq3A_1085 = arith.cmpi eq, %jit3A_1083, %eq3A_1084 : i32
        %jit3A_1086 = arith.constant 1 : i32
        %select_n3A_1087 = arith.select %eq3A_1085, %jit3A_1086, %jit3A_1083 : i32
        %rem3A_1088 = arith.remsi %select_n3A_1058, %select_n3A_1087 : i32
        %ne3A_1089 = arith.constant 0 : i32
        %ne3A_1090 = arith.cmpi ne, %rem3A_1088, %ne3A_1089 : i32
        %lt3A_1091 = arith.constant 0 : i32
        %lt3A_1092 = arith.cmpi slt, %rem3A_1088, %lt3A_1091 : i32
        %lt3A_1093 = arith.constant 0 : i32
        %lt3A_1094 = arith.cmpi slt, %select_n3A_1087, %lt3A_1093 : i32
        %ne3A_1095 = arith.xori %lt3A_1092, %lt3A_1094 : i1
        %and3A_1096 = arith.andi %ne3A_1095, %ne3A_1090 : i1
        %add3A_1097 = arith.addi %rem3A_1088, %select_n3A_1087 : i32
        %select_n3A_1098 = arith.select %and3A_1096, %add3A_1097, %rem3A_1088 : i32
        %mul3A_1099 = arith.constant 1 : i32
        %mul3A_1100 = arith.muli %select_n3A_1042, %mul3A_1099 : i32
        %mul3A_1101 = arith.constant 4096 : i32
        %mul3A_1102 = arith.muli %select_n3A_1098, %mul3A_1101 : i32
        %dma_start3A_1103 = arith.constant 1 : i32
        %dma_start3A_1104 = arith.constant 0 : i32
        %dma_start3A_1105 = arith.constant 0 : i32
        %dma_start3A_1106 = tpu.memref_slice %arg6[%dma_start3A_1103, %dma_start3A_1104, %dma_start3A_1105] : memref<2x1x4096xi32, #tpu.memory_space<vmem>> -> memref<1x1x4096xi32, #tpu.memory_space<vmem>>
        %dma_start3A_1107 = tpu.memref_squeeze %dma_start3A_1106 : memref<1x1x4096xi32, #tpu.memory_space<vmem>> -> memref<1x4096xi32, #tpu.memory_space<vmem>>
        %dma_start3A_1108 = tpu.memref_slice %arg3[%mul3A_1100, %mul3A_1102] : memref<200x4096xi32, #tpu.memory_space<hbm>> -> memref<1x4096xi32, #tpu.memory_space<hbm>>
        %dma_start3A_1109 = arith.constant 0 : i32
        %dma_start3A_1110 = arith.constant 0 : i32
        %dma_start3A_1111 = tpu.memref_slice %arg6[%dma_start3A_1103, %dma_start3A_1109, %dma_start3A_1110] : memref<2x1x4096xi32, #tpu.memory_space<vmem>> -> memref<1x1x4096xi32, #tpu.memory_space<vmem>>
        %dma_start3A_1112 = tpu.memref_squeeze %dma_start3A_1111 : memref<1x1x4096xi32, #tpu.memory_space<vmem>> -> memref<1x4096xi32, #tpu.memory_space<vmem>>
        %dma_start3A_1113 = tpu.memref_slice %arg3[%mul3A_1100, %mul3A_1102] : memref<200x4096xi32, #tpu.memory_space<hbm>> -> memref<1x4096xi32, #tpu.memory_space<hbm>>
        tpu.enqueue_dma source(%dma_start3A_1113 : memref<1x4096xi32, #tpu.memory_space<hbm>>) target(%dma_start3A_1112 : memref<1x4096xi32, #tpu.memory_space<vmem>>) target_semaphore(%arg9 : memref<!tpu.dma_semaphore, #tpu.memory_space<semaphore_mem>>)
      } else {
      }
      %jit3A_384 = arith.constant 8 : i32
      %div3A_385 = arith.divsi %add3A_298, %jit3A_384 : i32
      %sign3A_386 = arith.constant 0 : i32
      %sign3A_387 = arith.cmpi sgt, %add3A_298, %sign3A_386 : i32
      %sign3A_388 = arith.extui %sign3A_387 : i1 to i32
      %sign3A_389 = arith.constant 0 : i32
      %sign3A_390 = arith.cmpi slt, %add3A_298, %sign3A_389 : i32
      %sign3A_391 = arith.extui %sign3A_390 : i1 to i32
      %sign3A_392 = arith.subi %sign3A_388, %sign3A_391 : i32
      %sign3A_393 = arith.constant 0 : i32
      %sign3A_394 = arith.cmpi sgt, %jit3A_384, %sign3A_393 : i32
      %sign3A_395 = arith.extui %sign3A_394 : i1 to i32
      %sign3A_396 = arith.constant 0 : i32
      %sign3A_397 = arith.cmpi slt, %jit3A_384, %sign3A_396 : i32
      %sign3A_398 = arith.extui %sign3A_397 : i1 to i32
      %sign3A_399 = arith.subi %sign3A_395, %sign3A_398 : i32
      %ne3A_400 = arith.cmpi ne, %sign3A_392, %sign3A_399 : i32
      %rem3A_401 = arith.remsi %add3A_298, %jit3A_384 : i32
      %ne3A_402 = arith.constant 0 : i32
      %ne3A_403 = arith.cmpi ne, %rem3A_401, %ne3A_402 : i32
      %and3A_404 = arith.andi %ne3A_400, %ne3A_403 : i1
      %sub3A_405 = arith.constant 1 : i32
      %sub3A_406 = arith.subi %div3A_385, %sub3A_405 : i32
      %select_n3A_407 = arith.select %and3A_404, %sub3A_406, %div3A_385 : i32
      %jit3A_408 = arith.constant 8 : i32
      %eq3A_409 = arith.constant 0 : i32
      %eq3A_410 = arith.cmpi eq, %jit3A_408, %eq3A_409 : i32
      %jit3A_411 = arith.constant 1 : i32
      %select_n3A_412 = arith.select %eq3A_410, %jit3A_411, %jit3A_408 : i32
      %rem3A_413 = arith.remsi %add3A_298, %select_n3A_412 : i32
      %ne3A_414 = arith.constant 0 : i32
      %ne3A_415 = arith.cmpi ne, %rem3A_413, %ne3A_414 : i32
      %lt3A_416 = arith.constant 0 : i32
      %lt3A_417 = arith.cmpi slt, %rem3A_413, %lt3A_416 : i32
      %lt3A_418 = arith.constant 0 : i32
      %lt3A_419 = arith.cmpi slt, %select_n3A_412, %lt3A_418 : i32
      %ne3A_420 = arith.xori %lt3A_417, %lt3A_419 : i1
      %and3A_421 = arith.andi %ne3A_420, %ne3A_415 : i1
      %add3A_422 = arith.addi %rem3A_413, %select_n3A_412 : i32
      %select_n3A_423 = arith.select %and3A_421, %add3A_422, %rem3A_413 : i32
      %jit3A_424 = arith.constant 1 : i32
      %div3A_425 = arith.divsi %select_n3A_423, %jit3A_424 : i32
      %sign3A_426 = arith.constant 0 : i32
      %sign3A_427 = arith.cmpi sgt, %select_n3A_423, %sign3A_426 : i32
      %sign3A_428 = arith.extui %sign3A_427 : i1 to i32
      %sign3A_429 = arith.constant 0 : i32
      %sign3A_430 = arith.cmpi slt, %select_n3A_423, %sign3A_429 : i32
      %sign3A_431 = arith.extui %sign3A_430 : i1 to i32
      %sign3A_432 = arith.subi %sign3A_428, %sign3A_431 : i32
      %sign3A_433 = arith.constant 0 : i32
      %sign3A_434 = arith.cmpi sgt, %jit3A_424, %sign3A_433 : i32
      %sign3A_435 = arith.extui %sign3A_434 : i1 to i32
      %sign3A_436 = arith.constant 0 : i32
      %sign3A_437 = arith.cmpi slt, %jit3A_424, %sign3A_436 : i32
      %sign3A_438 = arith.extui %sign3A_437 : i1 to i32
      %sign3A_439 = arith.subi %sign3A_435, %sign3A_438 : i32
      %ne3A_440 = arith.cmpi ne, %sign3A_432, %sign3A_439 : i32
      %rem3A_441 = arith.remsi %select_n3A_423, %jit3A_424 : i32
      %ne3A_442 = arith.constant 0 : i32
      %ne3A_443 = arith.cmpi ne, %rem3A_441, %ne3A_442 : i32
      %and3A_444 = arith.andi %ne3A_440, %ne3A_443 : i1
      %sub3A_445 = arith.constant 1 : i32
      %sub3A_446 = arith.subi %div3A_425, %sub3A_445 : i32
      %select_n3A_447 = arith.select %and3A_444, %sub3A_446, %div3A_425 : i32
      %jit3A_448 = arith.constant 1 : i32
      %eq3A_449 = arith.constant 0 : i32
      %eq3A_450 = arith.cmpi eq, %jit3A_448, %eq3A_449 : i32
      %jit3A_451 = arith.constant 1 : i32
      %select_n3A_452 = arith.select %eq3A_450, %jit3A_451, %jit3A_448 : i32
      %rem3A_453 = arith.remsi %select_n3A_423, %select_n3A_452 : i32
      %ne3A_454 = arith.constant 0 : i32
      %ne3A_455 = arith.cmpi ne, %rem3A_453, %ne3A_454 : i32
      %lt3A_456 = arith.constant 0 : i32
      %lt3A_457 = arith.cmpi slt, %rem3A_453, %lt3A_456 : i32
      %lt3A_458 = arith.constant 0 : i32
      %lt3A_459 = arith.cmpi slt, %select_n3A_452, %lt3A_458 : i32
      %ne3A_460 = arith.xori %lt3A_457, %lt3A_459 : i1
      %and3A_461 = arith.andi %ne3A_460, %ne3A_455 : i1
      %add3A_462 = arith.addi %rem3A_453, %select_n3A_452 : i32
      %select_n3A_463 = arith.select %and3A_461, %add3A_462, %rem3A_453 : i32
      %mul3A_464 = arith.constant 1 : i32
      %mul3A_465 = arith.muli %select_n3A_407, %mul3A_464 : i32
      %mul3A_466 = arith.constant 4096 : i32
      %mul3A_467 = arith.muli %select_n3A_463, %mul3A_466 : i32
      %dma_wait3A_468 = arith.constant 0 : i32
      %dma_wait3A_469 = arith.constant 0 : i32
      %dma_wait3A_470 = arith.constant 0 : i32
      %dma_wait3A_471 = tpu.memref_slice %arg6[%dma_wait3A_468, %dma_wait3A_469, %dma_wait3A_470] : memref<2x1x4096xi32, #tpu.memory_space<vmem>> -> memref<1x1x4096xi32, #tpu.memory_space<vmem>>
      %dma_wait3A_472 = tpu.memref_squeeze %dma_wait3A_471 : memref<1x1x4096xi32, #tpu.memory_space<vmem>> -> memref<1x4096xi32, #tpu.memory_space<vmem>>
      %dma_wait3A_473 = tpu.memref_slice %arg3[%mul3A_465, %mul3A_467] : memref<200x4096xi32, #tpu.memory_space<hbm>> -> memref<1x4096xi32, #tpu.memory_space<hbm>>
      %dma_wait3A_474 = arith.constant 0 : i32
      %dma_wait3A_475 = arith.constant 0 : i32
      %dma_wait3A_476 = tpu.memref_slice %arg6[%dma_wait3A_468, %dma_wait3A_474, %dma_wait3A_475] : memref<2x1x4096xi32, #tpu.memory_space<vmem>> -> memref<1x1x4096xi32, #tpu.memory_space<vmem>>
      %dma_wait3A_477 = tpu.memref_squeeze %dma_wait3A_476 : memref<1x1x4096xi32, #tpu.memory_space<vmem>> -> memref<1x4096xi32, #tpu.memory_space<vmem>>
      %dma_wait3A_478 = tpu.memref_slice %arg3[%mul3A_465, %mul3A_467] : memref<200x4096xi32, #tpu.memory_space<hbm>> -> memref<1x4096xi32, #tpu.memory_space<hbm>>
      tpu.wait_dma2 semaphore(%arg8 : memref<!tpu.dma_semaphore, #tpu.memory_space<semaphore_mem>>) src(%dma_wait3A_478 : memref<1x4096xi32, #tpu.memory_space<hbm>>) dst(%dma_wait3A_477 : memref<1x4096xi32, #tpu.memory_space<vmem>>)
      %gt3A = arith.constant 0 : i32
      %gt3A_479 = arith.cmpi sgt, %scan3A_291, %gt3A : i32
      %convert_element_type3A_480 = arith.extui %gt3A_479 : i1 to i32
      %cond3A_481 = arith.constant 0 : i32
      %cond3A_482 = arith.cmpi ne, %convert_element_type3A_480, %cond3A_481 : i32
      scf.if %cond3A_482 {
        %sub3A_1014 = arith.constant 2 : i32
        %sub3A_1015 = arith.subi %add3A_295, %sub3A_1014 : i32
        %mul3A_1016 = arith.constant 32 : i32
        %mul3A_1017 = arith.muli %mul3A_1016, %sub3A_1015 : i32
        %add3A_1018 = arith.addi %add3A, %mul3A_1017 : i32
        %jit3A_1019 = arith.constant 8 : i32
        %div3A_1020 = arith.divsi %add3A_1018, %jit3A_1019 : i32
        %sign3A_1021 = arith.constant 0 : i32
        %sign3A_1022 = arith.cmpi sgt, %add3A_1018, %sign3A_1021 : i32
        %sign3A_1023 = arith.extui %sign3A_1022 : i1 to i32
        %sign3A_1024 = arith.constant 0 : i32
        %sign3A_1025 = arith.cmpi slt, %add3A_1018, %sign3A_1024 : i32
        %sign3A_1026 = arith.extui %sign3A_1025 : i1 to i32
        %sign3A_1027 = arith.subi %sign3A_1023, %sign3A_1026 : i32
        %sign3A_1028 = arith.constant 0 : i32
        %sign3A_1029 = arith.cmpi sgt, %jit3A_1019, %sign3A_1028 : i32
        %sign3A_1030 = arith.extui %sign3A_1029 : i1 to i32
        %sign3A_1031 = arith.constant 0 : i32
        %sign3A_1032 = arith.cmpi slt, %jit3A_1019, %sign3A_1031 : i32
        %sign3A_1033 = arith.extui %sign3A_1032 : i1 to i32
        %sign3A_1034 = arith.subi %sign3A_1030, %sign3A_1033 : i32
        %ne3A_1035 = arith.cmpi ne, %sign3A_1027, %sign3A_1034 : i32
        %rem3A_1036 = arith.remsi %add3A_1018, %jit3A_1019 : i32
        %ne3A_1037 = arith.constant 0 : i32
        %ne3A_1038 = arith.cmpi ne, %rem3A_1036, %ne3A_1037 : i32
        %and3A_1039 = arith.andi %ne3A_1035, %ne3A_1038 : i1
        %sub3A_1040 = arith.constant 1 : i32
        %sub3A_1041 = arith.subi %div3A_1020, %sub3A_1040 : i32
        %select_n3A_1042 = arith.select %and3A_1039, %sub3A_1041, %div3A_1020 : i32
        %jit3A_1043 = arith.constant 8 : i32
        %eq3A_1044 = arith.constant 0 : i32
        %eq3A_1045 = arith.cmpi eq, %jit3A_1043, %eq3A_1044 : i32
        %jit3A_1046 = arith.constant 1 : i32
        %select_n3A_1047 = arith.select %eq3A_1045, %jit3A_1046, %jit3A_1043 : i32
        %rem3A_1048 = arith.remsi %add3A_1018, %select_n3A_1047 : i32
        %ne3A_1049 = arith.constant 0 : i32
        %ne3A_1050 = arith.cmpi ne, %rem3A_1048, %ne3A_1049 : i32
        %lt3A_1051 = arith.constant 0 : i32
        %lt3A_1052 = arith.cmpi slt, %rem3A_1048, %lt3A_1051 : i32
        %lt3A_1053 = arith.constant 0 : i32
        %lt3A_1054 = arith.cmpi slt, %select_n3A_1047, %lt3A_1053 : i32
        %ne3A_1055 = arith.xori %lt3A_1052, %lt3A_1054 : i1
        %and3A_1056 = arith.andi %ne3A_1055, %ne3A_1050 : i1
        %add3A_1057 = arith.addi %rem3A_1048, %select_n3A_1047 : i32
        %select_n3A_1058 = arith.select %and3A_1056, %add3A_1057, %rem3A_1048 : i32
        %jit3A_1059 = arith.constant 1 : i32
        %div3A_1060 = arith.divsi %select_n3A_1058, %jit3A_1059 : i32
        %sign3A_1061 = arith.constant 0 : i32
        %sign3A_1062 = arith.cmpi sgt, %select_n3A_1058, %sign3A_1061 : i32
        %sign3A_1063 = arith.extui %sign3A_1062 : i1 to i32
        %sign3A_1064 = arith.constant 0 : i32
        %sign3A_1065 = arith.cmpi slt, %select_n3A_1058, %sign3A_1064 : i32
        %sign3A_1066 = arith.extui %sign3A_1065 : i1 to i32
        %sign3A_1067 = arith.subi %sign3A_1063, %sign3A_1066 : i32
        %sign3A_1068 = arith.constant 0 : i32
        %sign3A_1069 = arith.cmpi sgt, %jit3A_1059, %sign3A_1068 : i32
        %sign3A_1070 = arith.extui %sign3A_1069 : i1 to i32
        %sign3A_1071 = arith.constant 0 : i32
        %sign3A_1072 = arith.cmpi slt, %jit3A_1059, %sign3A_1071 : i32
        %sign3A_1073 = arith.extui %sign3A_1072 : i1 to i32
        %sign3A_1074 = arith.subi %sign3A_1070, %sign3A_1073 : i32
        %ne3A_1075 = arith.cmpi ne, %sign3A_1067, %sign3A_1074 : i32
        %rem3A_1076 = arith.remsi %select_n3A_1058, %jit3A_1059 : i32
        %ne3A_1077 = arith.constant 0 : i32
        %ne3A_1078 = arith.cmpi ne, %rem3A_1076, %ne3A_1077 : i32
        %and3A_1079 = arith.andi %ne3A_1075, %ne3A_1078 : i1
        %sub3A_1080 = arith.constant 1 : i32
        %sub3A_1081 = arith.subi %div3A_1060, %sub3A_1080 : i32
        %select_n3A_1082 = arith.select %and3A_1079, %sub3A_1081, %div3A_1060 : i32
        %jit3A_1083 = arith.constant 1 : i32
        %eq3A_1084 = arith.constant 0 : i32
        %eq3A_1085 = arith.cmpi eq, %jit3A_1083, %eq3A_1084 : i32
        %jit3A_1086 = arith.constant 1 : i32
        %select_n3A_1087 = arith.select %eq3A_1085, %jit3A_1086, %jit3A_1083 : i32
        %rem3A_1088 = arith.remsi %select_n3A_1058, %select_n3A_1087 : i32
        %ne3A_1089 = arith.constant 0 : i32
        %ne3A_1090 = arith.cmpi ne, %rem3A_1088, %ne3A_1089 : i32
        %lt3A_1091 = arith.constant 0 : i32
        %lt3A_1092 = arith.cmpi slt, %rem3A_1088, %lt3A_1091 : i32
        %lt3A_1093 = arith.constant 0 : i32
        %lt3A_1094 = arith.cmpi slt, %select_n3A_1087, %lt3A_1093 : i32
        %ne3A_1095 = arith.xori %lt3A_1092, %lt3A_1094 : i1
        %and3A_1096 = arith.andi %ne3A_1095, %ne3A_1090 : i1
        %add3A_1097 = arith.addi %rem3A_1088, %select_n3A_1087 : i32
        %select_n3A_1098 = arith.select %and3A_1096, %add3A_1097, %rem3A_1088 : i32
        %mul3A_1099 = arith.constant 1 : i32
        %mul3A_1100 = arith.muli %select_n3A_1042, %mul3A_1099 : i32
        %mul3A_1101 = arith.constant 8 : i32
        %mul3A_1102 = arith.muli %select_n3A_1082, %mul3A_1101 : i32
        %mul3A_1103 = arith.constant 4096 : i32
        %mul3A_1104 = arith.muli %select_n3A_1098, %mul3A_1103 : i32
        %dma_wait3A_1105 = arith.constant 0 : i32
        %dma_wait3A_1106 = arith.constant 0 : i32
        %dma_wait3A_1107 = arith.constant 0 : i32
        %dma_wait3A_1108 = arith.constant 0 : i32
        %dma_wait3A_1109 = tpu.memref_slice %arg7[%dma_wait3A_1105, %dma_wait3A_1106, %dma_wait3A_1107, %dma_wait3A_1108] : memref<2x1x8x4096xf32, #tpu.memory_space<vmem>> -> memref<1x1x8x4096xf32, #tpu.memory_space<vmem>>
        %dma_wait3A_1110 = tpu.memref_squeeze %dma_wait3A_1109 : memref<1x1x8x4096xf32, #tpu.memory_space<vmem>> -> memref<1x8x4096xf32, #tpu.memory_space<vmem>>
        %dma_wait3A_1111 = tpu.memref_slice %arg4[%mul3A_1100, %mul3A_1102, %mul3A_1104] : memref<200x64x4096xf32, #tpu.memory_space<hbm>> -> memref<1x8x4096xf32, #tpu.memory_space<hbm>>
        %dma_wait3A_1112 = tpu.memref_slice %arg4[%mul3A_1100, %mul3A_1102, %mul3A_1104] : memref<200x64x4096xf32, #tpu.memory_space<hbm>> -> memref<1x8x4096xf32, #tpu.memory_space<hbm>>
        %dma_wait3A_1113 = arith.constant 0 : i32
        %dma_wait3A_1114 = arith.constant 0 : i32
        %dma_wait3A_1115 = arith.constant 0 : i32
        %dma_wait3A_1116 = tpu.memref_slice %arg7[%dma_wait3A_1105, %dma_wait3A_1113, %dma_wait3A_1114, %dma_wait3A_1115] : memref<2x1x8x4096xf32, #tpu.memory_space<vmem>> -> memref<1x1x8x4096xf32, #tpu.memory_space<vmem>>
        %dma_wait3A_1117 = tpu.memref_squeeze %dma_wait3A_1116 : memref<1x1x8x4096xf32, #tpu.memory_space<vmem>> -> memref<1x8x4096xf32, #tpu.memory_space<vmem>>
        tpu.wait_dma2 semaphore(%arg10 : memref<!tpu.dma_semaphore, #tpu.memory_space<semaphore_mem>>) src(%dma_wait3A_1117 : memref<1x8x4096xf32, #tpu.memory_space<vmem>>) dst(%dma_wait3A_1112 : memref<1x8x4096xf32, #tpu.memory_space<hbm>>)
      } else {
      }
      %mul3A_483 = arith.constant 8 : i32
      %mul3A_484 = arith.muli %select_n3A_362, %mul3A_483 : i32
      %add3A_485 = arith.constant 0 : i32
      %add3A_486 = arith.addi %mul3A_484, %add3A_485 : i32
      %mul3A_487 = arith.constant 16 : i32
      %mul3A_488 = arith.muli %add3A_486, %mul3A_487 : i32
      %get3A = arith.index_cast %mul3A_488 : i32 to index
      %get3A_489 = tpu.vector_load %arg5[%get3A] {strides = array<i32>} : memref<1024xf32, #tpu.memory_space<vmem>>, vector<16xf32>,
      %mul3A_490 = arith.constant 8 : i32
      %mul3A_491 = arith.muli %select_n3A_362, %mul3A_490 : i32
      %add3A_492 = arith.constant 1 : i32
      %add3A_493 = arith.addi %mul3A_491, %add3A_492 : i32
      %mul3A_494 = arith.constant 16 : i32
      %mul3A_495 = arith.muli %add3A_493, %mul3A_494 : i32
      %get3A_496 = arith.index_cast %mul3A_495 : i32 to index
      %get3A_497 = tpu.vector_load %arg5[%get3A_496] {strides = array<i32>} : memref<1024xf32, #tpu.memory_space<vmem>>, vector<16xf32>,
      %mul3A_498 = arith.constant 8 : i32
      %mul3A_499 = arith.muli %select_n3A_362, %mul3A_498 : i32
      %add3A_500 = arith.constant 2 : i32
      %add3A_501 = arith.addi %mul3A_499, %add3A_500 : i32
      %mul3A_502 = arith.constant 16 : i32
      %mul3A_503 = arith.muli %add3A_501, %mul3A_502 : i32
      %get3A_504 = arith.index_cast %mul3A_503 : i32 to index
      %get3A_505 = tpu.vector_load %arg5[%get3A_504] {strides = array<i32>} : memref<1024xf32, #tpu.memory_space<vmem>>, vector<16xf32>,
      %mul3A_506 = arith.constant 8 : i32
      %mul3A_507 = arith.muli %select_n3A_362, %mul3A_506 : i32
      %add3A_508 = arith.constant 3 : i32
      %add3A_509 = arith.addi %mul3A_507, %add3A_508 : i32
      %mul3A_510 = arith.constant 16 : i32
      %mul3A_511 = arith.muli %add3A_509, %mul3A_510 : i32
      %get3A_512 = arith.index_cast %mul3A_511 : i32 to index
      %get3A_513 = tpu.vector_load %arg5[%get3A_512] {strides = array<i32>} : memref<1024xf32, #tpu.memory_space<vmem>>, vector<16xf32>,
      %mul3A_514 = arith.constant 8 : i32
      %mul3A_515 = arith.muli %select_n3A_362, %mul3A_514 : i32
      %add3A_516 = arith.constant 4 : i32
      %add3A_517 = arith.addi %mul3A_515, %add3A_516 : i32
      %mul3A_518 = arith.constant 16 : i32
      %mul3A_519 = arith.muli %add3A_517, %mul3A_518 : i32
      %get3A_520 = arith.index_cast %mul3A_519 : i32 to index
      %get3A_521 = tpu.vector_load %arg5[%get3A_520] {strides = array<i32>} : memref<1024xf32, #tpu.memory_space<vmem>>, vector<16xf32>,
      %mul3A_522 = arith.constant 8 : i32
      %mul3A_523 = arith.muli %select_n3A_362, %mul3A_522 : i32
      %add3A_524 = arith.constant 5 : i32
      %add3A_525 = arith.addi %mul3A_523, %add3A_524 : i32
      %mul3A_526 = arith.constant 16 : i32
      %mul3A_527 = arith.muli %add3A_525, %mul3A_526 : i32
      %get3A_528 = arith.index_cast %mul3A_527 : i32 to index
      %get3A_529 = tpu.vector_load %arg5[%get3A_528] {strides = array<i32>} : memref<1024xf32, #tpu.memory_space<vmem>>, vector<16xf32>,
      %mul3A_530 = arith.constant 8 : i32
      %mul3A_531 = arith.muli %select_n3A_362, %mul3A_530 : i32
      %add3A_532 = arith.constant 6 : i32
      %add3A_533 = arith.addi %mul3A_531, %add3A_532 : i32
      %mul3A_534 = arith.constant 16 : i32
      %mul3A_535 = arith.muli %add3A_533, %mul3A_534 : i32
      %get3A_536 = arith.index_cast %mul3A_535 : i32 to index
      %get3A_537 = tpu.vector_load %arg5[%get3A_536] {strides = array<i32>} : memref<1024xf32, #tpu.memory_space<vmem>>, vector<16xf32>,
      %mul3A_538 = arith.constant 8 : i32
      %mul3A_539 = arith.muli %select_n3A_362, %mul3A_538 : i32
      %add3A_540 = arith.constant 7 : i32
      %add3A_541 = arith.addi %mul3A_539, %add3A_540 : i32
      %mul3A_542 = arith.constant 16 : i32
      %mul3A_543 = arith.muli %add3A_541, %mul3A_542 : i32
      %get3A_544 = arith.index_cast %mul3A_543 : i32 to index
      %get3A_545 = tpu.vector_load %arg5[%get3A_544] {strides = array<i32>} : memref<1024xf32, #tpu.memory_space<vmem>>, vector<16xf32>,
      %scan3A_546 = arith.constant 0 : i32
      %scan3A_547 = arith.constant 0 : i32
      %scan3A_548 = arith.constant 256 : i32
      %scan3A_549 = arith.addi %scan3A_547, %scan3A_548 : i32
      %scan3A_550 = arith.constant 1 : i32
      scf.for %scan3A_1014 = %scan3A_547 to %scan3A_549 step %scan3A_550  : i32 {
        %jit3A_1015 = arith.constant 256 : i32
        %div3A_1016 = arith.divsi %scan3A_1014, %jit3A_1015 : i32
        %sign3A_1017 = arith.constant 0 : i32
        %sign3A_1018 = arith.cmpi sgt, %scan3A_1014, %sign3A_1017 : i32
        %sign3A_1019 = arith.extui %sign3A_1018 : i1 to i32
        %sign3A_1020 = arith.constant 0 : i32
        %sign3A_1021 = arith.cmpi slt, %scan3A_1014, %sign3A_1020 : i32
        %sign3A_1022 = arith.extui %sign3A_1021 : i1 to i32
        %sign3A_1023 = arith.subi %sign3A_1019, %sign3A_1022 : i32
        %sign3A_1024 = arith.constant 0 : i32
        %sign3A_1025 = arith.cmpi sgt, %jit3A_1015, %sign3A_1024 : i32
        %sign3A_1026 = arith.extui %sign3A_1025 : i1 to i32
        %sign3A_1027 = arith.constant 0 : i32
        %sign3A_1028 = arith.cmpi slt, %jit3A_1015, %sign3A_1027 : i32
        %sign3A_1029 = arith.extui %sign3A_1028 : i1 to i32
        %sign3A_1030 = arith.subi %sign3A_1026, %sign3A_1029 : i32
        %ne3A_1031 = arith.cmpi ne, %sign3A_1023, %sign3A_1030 : i32
        %rem3A_1032 = arith.remsi %scan3A_1014, %jit3A_1015 : i32
        %ne3A_1033 = arith.constant 0 : i32
        %ne3A_1034 = arith.cmpi ne, %rem3A_1032, %ne3A_1033 : i32
        %and3A_1035 = arith.andi %ne3A_1031, %ne3A_1034 : i1
        %sub3A_1036 = arith.constant 1 : i32
        %sub3A_1037 = arith.subi %div3A_1016, %sub3A_1036 : i32
        %select_n3A_1038 = arith.select %and3A_1035, %sub3A_1037, %div3A_1016 : i32
        %jit3A_1039 = arith.constant 256 : i32
        %eq3A_1040 = arith.constant 0 : i32
        %eq3A_1041 = arith.cmpi eq, %jit3A_1039, %eq3A_1040 : i32
        %jit3A_1042 = arith.constant 1 : i32
        %select_n3A_1043 = arith.select %eq3A_1041, %jit3A_1042, %jit3A_1039 : i32
        %rem3A_1044 = arith.remsi %scan3A_1014, %select_n3A_1043 : i32
        %ne3A_1045 = arith.constant 0 : i32
        %ne3A_1046 = arith.cmpi ne, %rem3A_1044, %ne3A_1045 : i32
        %lt3A_1047 = arith.constant 0 : i32
        %lt3A_1048 = arith.cmpi slt, %rem3A_1044, %lt3A_1047 : i32
        %lt3A_1049 = arith.constant 0 : i32
        %lt3A_1050 = arith.cmpi slt, %select_n3A_1043, %lt3A_1049 : i32
        %ne3A_1051 = arith.xori %lt3A_1048, %lt3A_1050 : i1
        %and3A_1052 = arith.andi %ne3A_1051, %ne3A_1046 : i1
        %add3A_1053 = arith.addi %rem3A_1044, %select_n3A_1043 : i32
        %select_n3A_1054 = arith.select %and3A_1052, %add3A_1053, %rem3A_1044 : i32
        %mul3A_1055 = arith.constant 16 : i32
        %mul3A_1056 = arith.muli %select_n3A_1054, %mul3A_1055 : i32
        %get3A_1057 = arith.constant 0 : i32
        %get3A_1058 = arith.index_cast %get3A_1057 : i32 to index
        %get3A_1059 = arith.index_cast %select_n3A_1038 : i32 to index
        %get3A_1060 = arith.index_cast %mul3A_1056 : i32 to index
        %get3A_1061 = tpu.vector_load %arg6[%get3A_1058, %get3A_1059, %get3A_1060] {strides = array<i32>} : memref<2x1x4096xi32, #tpu.memory_space<vmem>>, vector<16xi32>,
        %reshape3A = vector.shape_cast %get3A_1061 : vector<16xi32> to vector<16x1xi32>
        %gather3A = vector.shape_cast %reshape3A : vector<16x1xi32> to vector<16xi32>
        %gather3A_1062 = tpu.dynamic_gather %get3A_489[%gather3A] in [0] : vector<16xf32>, vector<16xi32> -> vector<16xf32>
        %mul3A_1063 = arith.constant 16 : i32
        %mul3A_1064 = arith.muli %select_n3A_1054, %mul3A_1063 : i32
        %swap3A = arith.constant 0 : i32
        %swap3A_1065 = arith.constant 0 : i32
        %swap3A_1066 = arith.index_cast %swap3A : i32 to index
        %swap3A_1067 = arith.index_cast %select_n3A_1038 : i32 to index
        %swap3A_1068 = arith.index_cast %swap3A_1065 : i32 to index
        %swap3A_1069 = arith.index_cast %mul3A_1064 : i32 to index
        %swap3A_1070 = tpu.vector_load %arg7[%swap3A_1066, %swap3A_1067, %swap3A_1068, %swap3A_1069] {strides = array<i32>} : memref<2x1x8x4096xf32, #tpu.memory_space<vmem>>, vector<16xf32>,
        tpu.vector_store %arg7[%swap3A_1066, %swap3A_1067, %swap3A_1068, %swap3A_1069], %gather3A_1062 {strides = array<i32>} : memref<2x1x8x4096xf32, #tpu.memory_space<vmem>>, vector<16xf32>,
        %reshape3A_1071 = vector.shape_cast %get3A_1061 : vector<16xi32> to vector<16x1xi32>
        %gather3A_1072 = vector.shape_cast %reshape3A_1071 : vector<16x1xi32> to vector<16xi32>
        %gather3A_1073 = tpu.dynamic_gather %get3A_497[%gather3A_1072] in [0] : vector<16xf32>, vector<16xi32> -> vector<16xf32>
        %mul3A_1074 = arith.constant 16 : i32
        %mul3A_1075 = arith.muli %select_n3A_1054, %mul3A_1074 : i32
        %swap3A_1076 = arith.constant 0 : i32
        %swap3A_1077 = arith.constant 1 : i32
        %swap3A_1078 = arith.index_cast %swap3A_1076 : i32 to index
        %swap3A_1079 = arith.index_cast %select_n3A_1038 : i32 to index
        %swap3A_1080 = arith.index_cast %swap3A_1077 : i32 to index
        %swap3A_1081 = arith.index_cast %mul3A_1075 : i32 to index
        %swap3A_1082 = tpu.vector_load %arg7[%swap3A_1078, %swap3A_1079, %swap3A_1080, %swap3A_1081] {strides = array<i32>} : memref<2x1x8x4096xf32, #tpu.memory_space<vmem>>, vector<16xf32>,
        tpu.vector_store %arg7[%swap3A_1078, %swap3A_1079, %swap3A_1080, %swap3A_1081], %gather3A_1073 {strides = array<i32>} : memref<2x1x8x4096xf32, #tpu.memory_space<vmem>>, vector<16xf32>,
        %reshape3A_1083 = vector.shape_cast %get3A_1061 : vector<16xi32> to vector<16x1xi32>
        %gather3A_1084 = vector.shape_cast %reshape3A_1083 : vector<16x1xi32> to vector<16xi32>
        %gather3A_1085 = tpu.dynamic_gather %get3A_505[%gather3A_1084] in [0] : vector<16xf32>, vector<16xi32> -> vector<16xf32>
        %mul3A_1086 = arith.constant 16 : i32
        %mul3A_1087 = arith.muli %select_n3A_1054, %mul3A_1086 : i32
        %swap3A_1088 = arith.constant 0 : i32
        %swap3A_1089 = arith.constant 2 : i32
        %swap3A_1090 = arith.index_cast %swap3A_1088 : i32 to index
        %swap3A_1091 = arith.index_cast %select_n3A_1038 : i32 to index
        %swap3A_1092 = arith.index_cast %swap3A_1089 : i32 to index
        %swap3A_1093 = arith.index_cast %mul3A_1087 : i32 to index
        %swap3A_1094 = tpu.vector_load %arg7[%swap3A_1090, %swap3A_1091, %swap3A_1092, %swap3A_1093] {strides = array<i32>} : memref<2x1x8x4096xf32, #tpu.memory_space<vmem>>, vector<16xf32>,
        tpu.vector_store %arg7[%swap3A_1090, %swap3A_1091, %swap3A_1092, %swap3A_1093], %gather3A_1085 {strides = array<i32>} : memref<2x1x8x4096xf32, #tpu.memory_space<vmem>>, vector<16xf32>,
        %reshape3A_1095 = vector.shape_cast %get3A_1061 : vector<16xi32> to vector<16x1xi32>
        %gather3A_1096 = vector.shape_cast %reshape3A_1095 : vector<16x1xi32> to vector<16xi32>
        %gather3A_1097 = tpu.dynamic_gather %get3A_513[%gather3A_1096] in [0] : vector<16xf32>, vector<16xi32> -> vector<16xf32>
        %mul3A_1098 = arith.constant 16 : i32
        %mul3A_1099 = arith.muli %select_n3A_1054, %mul3A_1098 : i32
        %swap3A_1100 = arith.constant 0 : i32
        %swap3A_1101 = arith.constant 3 : i32
        %swap3A_1102 = arith.index_cast %swap3A_1100 : i32 to index
        %swap3A_1103 = arith.index_cast %select_n3A_1038 : i32 to index
        %swap3A_1104 = arith.index_cast %swap3A_1101 : i32 to index
        %swap3A_1105 = arith.index_cast %mul3A_1099 : i32 to index
        %swap3A_1106 = tpu.vector_load %arg7[%swap3A_1102, %swap3A_1103, %swap3A_1104, %swap3A_1105] {strides = array<i32>} : memref<2x1x8x4096xf32, #tpu.memory_space<vmem>>, vector<16xf32>,
        tpu.vector_store %arg7[%swap3A_1102, %swap3A_1103, %swap3A_1104, %swap3A_1105], %gather3A_1097 {strides = array<i32>} : memref<2x1x8x4096xf32, #tpu.memory_space<vmem>>, vector<16xf32>,
        %reshape3A_1107 = vector.shape_cast %get3A_1061 : vector<16xi32> to vector<16x1xi32>
        %gather3A_1108 = vector.shape_cast %reshape3A_1107 : vector<16x1xi32> to vector<16xi32>
        %gather3A_1109 = tpu.dynamic_gather %get3A_521[%gather3A_1108] in [0] : vector<16xf32>, vector<16xi32> -> vector<16xf32>
        %mul3A_1110 = arith.constant 16 : i32
        %mul3A_1111 = arith.muli %select_n3A_1054, %mul3A_1110 : i32
        %swap3A_1112 = arith.constant 0 : i32
        %swap3A_1113 = arith.constant 4 : i32
        %swap3A_1114 = arith.index_cast %swap3A_1112 : i32 to index
        %swap3A_1115 = arith.index_cast %select_n3A_1038 : i32 to index
        %swap3A_1116 = arith.index_cast %swap3A_1113 : i32 to index
        %swap3A_1117 = arith.index_cast %mul3A_1111 : i32 to index
        %swap3A_1118 = tpu.vector_load %arg7[%swap3A_1114, %swap3A_1115, %swap3A_1116, %swap3A_1117] {strides = array<i32>} : memref<2x1x8x4096xf32, #tpu.memory_space<vmem>>, vector<16xf32>,
        tpu.vector_store %arg7[%swap3A_1114, %swap3A_1115, %swap3A_1116, %swap3A_1117], %gather3A_1109 {strides = array<i32>} : memref<2x1x8x4096xf32, #tpu.memory_space<vmem>>, vector<16xf32>,
        %reshape3A_1119 = vector.shape_cast %get3A_1061 : vector<16xi32> to vector<16x1xi32>
        %gather3A_1120 = vector.shape_cast %reshape3A_1119 : vector<16x1xi32> to vector<16xi32>
        %gather3A_1121 = tpu.dynamic_gather %get3A_529[%gather3A_1120] in [0] : vector<16xf32>, vector<16xi32> -> vector<16xf32>
        %mul3A_1122 = arith.constant 16 : i32
        %mul3A_1123 = arith.muli %select_n3A_1054, %mul3A_1122 : i32
        %swap3A_1124 = arith.constant 0 : i32
        %swap3A_1125 = arith.constant 5 : i32
        %swap3A_1126 = arith.index_cast %swap3A_1124 : i32 to index
        %swap3A_1127 = arith.index_cast %select_n3A_1038 : i32 to index
        %swap3A_1128 = arith.index_cast %swap3A_1125 : i32 to index
        %swap3A_1129 = arith.index_cast %mul3A_1123 : i32 to index
        %swap3A_1130 = tpu.vector_load %arg7[%swap3A_1126, %swap3A_1127, %swap3A_1128, %swap3A_1129] {strides = array<i32>} : memref<2x1x8x4096xf32, #tpu.memory_space<vmem>>, vector<16xf32>,
        tpu.vector_store %arg7[%swap3A_1126, %swap3A_1127, %swap3A_1128, %swap3A_1129], %gather3A_1121 {strides = array<i32>} : memref<2x1x8x4096xf32, #tpu.memory_space<vmem>>, vector<16xf32>,
        %reshape3A_1131 = vector.shape_cast %get3A_1061 : vector<16xi32> to vector<16x1xi32>
        %gather3A_1132 = vector.shape_cast %reshape3A_1131 : vector<16x1xi32> to vector<16xi32>
        %gather3A_1133 = tpu.dynamic_gather %get3A_537[%gather3A_1132] in [0] : vector<16xf32>, vector<16xi32> -> vector<16xf32>
        %mul3A_1134 = arith.constant 16 : i32
        %mul3A_1135 = arith.muli %select_n3A_1054, %mul3A_1134 : i32
        %swap3A_1136 = arith.constant 0 : i32
        %swap3A_1137 = arith.constant 6 : i32
        %swap3A_1138 = arith.index_cast %swap3A_1136 : i32 to index
        %swap3A_1139 = arith.index_cast %select_n3A_1038 : i32 to index
        %swap3A_1140 = arith.index_cast %swap3A_1137 : i32 to index
        %swap3A_1141 = arith.index_cast %mul3A_1135 : i32 to index
        %swap3A_1142 = tpu.vector_load %arg7[%swap3A_1138, %swap3A_1139, %swap3A_1140, %swap3A_1141] {strides = array<i32>} : memref<2x1x8x4096xf32, #tpu.memory_space<vmem>>, vector<16xf32>,
        tpu.vector_store %arg7[%swap3A_1138, %swap3A_1139, %swap3A_1140, %swap3A_1141], %gather3A_1133 {strides = array<i32>} : memref<2x1x8x4096xf32, #tpu.memory_space<vmem>>, vector<16xf32>,
        %reshape3A_1143 = vector.shape_cast %get3A_1061 : vector<16xi32> to vector<16x1xi32>
        %gather3A_1144 = vector.shape_cast %reshape3A_1143 : vector<16x1xi32> to vector<16xi32>
        %gather3A_1145 = tpu.dynamic_gather %get3A_545[%gather3A_1144] in [0] : vector<16xf32>, vector<16xi32> -> vector<16xf32>
        %mul3A_1146 = arith.constant 16 : i32
        %mul3A_1147 = arith.muli %select_n3A_1054, %mul3A_1146 : i32
        %swap3A_1148 = arith.constant 0 : i32
        %swap3A_1149 = arith.constant 7 : i32
        %swap3A_1150 = arith.index_cast %swap3A_1148 : i32 to index
        %swap3A_1151 = arith.index_cast %select_n3A_1038 : i32 to index
        %swap3A_1152 = arith.index_cast %swap3A_1149 : i32 to index
        %swap3A_1153 = arith.index_cast %mul3A_1147 : i32 to index
        %swap3A_1154 = tpu.vector_load %arg7[%swap3A_1150, %swap3A_1151, %swap3A_1152, %swap3A_1153] {strides = array<i32>} : memref<2x1x8x4096xf32, #tpu.memory_space<vmem>>, vector<16xf32>,
        tpu.vector_store %arg7[%swap3A_1150, %swap3A_1151, %swap3A_1152, %swap3A_1153], %gather3A_1145 {strides = array<i32>} : memref<2x1x8x4096xf32, #tpu.memory_space<vmem>>, vector<16xf32>,
      }
      %scan3A_551 = arith.constant 256 : i32
      %jit3A_552 = arith.constant 8 : i32
      %div3A_553 = arith.divsi %add3A_298, %jit3A_552 : i32
      %sign3A_554 = arith.constant 0 : i32
      %sign3A_555 = arith.cmpi sgt, %add3A_298, %sign3A_554 : i32
      %sign3A_556 = arith.extui %sign3A_555 : i1 to i32
      %sign3A_557 = arith.constant 0 : i32
      %sign3A_558 = arith.cmpi slt, %add3A_298, %sign3A_557 : i32
      %sign3A_559 = arith.extui %sign3A_558 : i1 to i32
      %sign3A_560 = arith.subi %sign3A_556, %sign3A_559 : i32
      %sign3A_561 = arith.constant 0 : i32
      %sign3A_562 = arith.cmpi sgt, %jit3A_552, %sign3A_561 : i32
      %sign3A_563 = arith.extui %sign3A_562 : i1 to i32
      %sign3A_564 = arith.constant 0 : i32
      %sign3A_565 = arith.cmpi slt, %jit3A_552, %sign3A_564 : i32
      %sign3A_566 = arith.extui %sign3A_565 : i1 to i32
      %sign3A_567 = arith.subi %sign3A_563, %sign3A_566 : i32
      %ne3A_568 = arith.cmpi ne, %sign3A_560, %sign3A_567 : i32
      %rem3A_569 = arith.remsi %add3A_298, %jit3A_552 : i32
      %ne3A_570 = arith.constant 0 : i32
      %ne3A_571 = arith.cmpi ne, %rem3A_569, %ne3A_570 : i32
      %and3A_572 = arith.andi %ne3A_568, %ne3A_571 : i1
      %sub3A_573 = arith.constant 1 : i32
      %sub3A_574 = arith.subi %div3A_553, %sub3A_573 : i32
      %select_n3A_575 = arith.select %and3A_572, %sub3A_574, %div3A_553 : i32
      %jit3A_576 = arith.constant 8 : i32
      %eq3A_577 = arith.constant 0 : i32
      %eq3A_578 = arith.cmpi eq, %jit3A_576, %eq3A_577 : i32
      %jit3A_579 = arith.constant 1 : i32
      %select_n3A_580 = arith.select %eq3A_578, %jit3A_579, %jit3A_576 : i32
      %rem3A_581 = arith.remsi %add3A_298, %select_n3A_580 : i32
      %ne3A_582 = arith.constant 0 : i32
      %ne3A_583 = arith.cmpi ne, %rem3A_581, %ne3A_582 : i32
      %lt3A_584 = arith.constant 0 : i32
      %lt3A_585 = arith.cmpi slt, %rem3A_581, %lt3A_584 : i32
      %lt3A_586 = arith.constant 0 : i32
      %lt3A_587 = arith.cmpi slt, %select_n3A_580, %lt3A_586 : i32
      %ne3A_588 = arith.xori %lt3A_585, %lt3A_587 : i1
      %and3A_589 = arith.andi %ne3A_588, %ne3A_583 : i1
      %add3A_590 = arith.addi %rem3A_581, %select_n3A_580 : i32
      %select_n3A_591 = arith.select %and3A_589, %add3A_590, %rem3A_581 : i32
      %jit3A_592 = arith.constant 1 : i32
      %div3A_593 = arith.divsi %select_n3A_591, %jit3A_592 : i32
      %sign3A_594 = arith.constant 0 : i32
      %sign3A_595 = arith.cmpi sgt, %select_n3A_591, %sign3A_594 : i32
      %sign3A_596 = arith.extui %sign3A_595 : i1 to i32
      %sign3A_597 = arith.constant 0 : i32
      %sign3A_598 = arith.cmpi slt, %select_n3A_591, %sign3A_597 : i32
      %sign3A_599 = arith.extui %sign3A_598 : i1 to i32
      %sign3A_600 = arith.subi %sign3A_596, %sign3A_599 : i32
      %sign3A_601 = arith.constant 0 : i32
      %sign3A_602 = arith.cmpi sgt, %jit3A_592, %sign3A_601 : i32
      %sign3A_603 = arith.extui %sign3A_602 : i1 to i32
      %sign3A_604 = arith.constant 0 : i32
      %sign3A_605 = arith.cmpi slt, %jit3A_592, %sign3A_604 : i32
      %sign3A_606 = arith.extui %sign3A_605 : i1 to i32
      %sign3A_607 = arith.subi %sign3A_603, %sign3A_606 : i32
      %ne3A_608 = arith.cmpi ne, %sign3A_600, %sign3A_607 : i32
      %rem3A_609 = arith.remsi %select_n3A_591, %jit3A_592 : i32
      %ne3A_610 = arith.constant 0 : i32
      %ne3A_611 = arith.cmpi ne, %rem3A_609, %ne3A_610 : i32
      %and3A_612 = arith.andi %ne3A_608, %ne3A_611 : i1
      %sub3A_613 = arith.constant 1 : i32
      %sub3A_614 = arith.subi %div3A_593, %sub3A_613 : i32
      %select_n3A_615 = arith.select %and3A_612, %sub3A_614, %div3A_593 : i32
      %jit3A_616 = arith.constant 1 : i32
      %eq3A_617 = arith.constant 0 : i32
      %eq3A_618 = arith.cmpi eq, %jit3A_616, %eq3A_617 : i32
      %jit3A_619 = arith.constant 1 : i32
      %select_n3A_620 = arith.select %eq3A_618, %jit3A_619, %jit3A_616 : i32
      %rem3A_621 = arith.remsi %select_n3A_591, %select_n3A_620 : i32
      %ne3A_622 = arith.constant 0 : i32
      %ne3A_623 = arith.cmpi ne, %rem3A_621, %ne3A_622 : i32
      %lt3A_624 = arith.constant 0 : i32
      %lt3A_625 = arith.cmpi slt, %rem3A_621, %lt3A_624 : i32
      %lt3A_626 = arith.constant 0 : i32
      %lt3A_627 = arith.cmpi slt, %select_n3A_620, %lt3A_626 : i32
      %ne3A_628 = arith.xori %lt3A_625, %lt3A_627 : i1
      %and3A_629 = arith.andi %ne3A_628, %ne3A_623 : i1
      %add3A_630 = arith.addi %rem3A_621, %select_n3A_620 : i32
      %select_n3A_631 = arith.select %and3A_629, %add3A_630, %rem3A_621 : i32
      %mul3A_632 = arith.constant 1 : i32
      %mul3A_633 = arith.muli %select_n3A_575, %mul3A_632 : i32
      %mul3A_634 = arith.constant 8 : i32
      %mul3A_635 = arith.muli %select_n3A_615, %mul3A_634 : i32
      %mul3A_636 = arith.constant 4096 : i32
      %mul3A_637 = arith.muli %select_n3A_631, %mul3A_636 : i32
      %dma_start3A_638 = arith.constant 0 : i32
      %dma_start3A_639 = arith.constant 0 : i32
      %dma_start3A_640 = arith.constant 0 : i32
      %dma_start3A_641 = arith.constant 0 : i32
      %dma_start3A_642 = tpu.memref_slice %arg7[%dma_start3A_638, %dma_start3A_639, %dma_start3A_640, %dma_start3A_641] : memref<2x1x8x4096xf32, #tpu.memory_space<vmem>> -> memref<1x1x8x4096xf32, #tpu.memory_space<vmem>>
      %dma_start3A_643 = tpu.memref_squeeze %dma_start3A_642 : memref<1x1x8x4096xf32, #tpu.memory_space<vmem>> -> memref<1x8x4096xf32, #tpu.memory_space<vmem>>
      %dma_start3A_644 = tpu.memref_slice %arg4[%mul3A_633, %mul3A_635, %mul3A_637] : memref<200x64x4096xf32, #tpu.memory_space<hbm>> -> memref<1x8x4096xf32, #tpu.memory_space<hbm>>
      %dma_start3A_645 = tpu.memref_slice %arg4[%mul3A_633, %mul3A_635, %mul3A_637] : memref<200x64x4096xf32, #tpu.memory_space<hbm>> -> memref<1x8x4096xf32, #tpu.memory_space<hbm>>
      %dma_start3A_646 = arith.constant 0 : i32
      %dma_start3A_647 = arith.constant 0 : i32
      %dma_start3A_648 = arith.constant 0 : i32
      %dma_start3A_649 = tpu.memref_slice %arg7[%dma_start3A_638, %dma_start3A_646, %dma_start3A_647, %dma_start3A_648] : memref<2x1x8x4096xf32, #tpu.memory_space<vmem>> -> memref<1x1x8x4096xf32, #tpu.memory_space<vmem>>
      %dma_start3A_650 = tpu.memref_squeeze %dma_start3A_649 : memref<1x1x8x4096xf32, #tpu.memory_space<vmem>> -> memref<1x8x4096xf32, #tpu.memory_space<vmem>>
      tpu.enqueue_dma source(%dma_start3A_650 : memref<1x8x4096xf32, #tpu.memory_space<vmem>>) target(%dma_start3A_645 : memref<1x8x4096xf32, #tpu.memory_space<hbm>>) target_semaphore(%arg10 : memref<!tpu.dma_semaphore, #tpu.memory_space<semaphore_mem>>)
      %mul3A_651 = arith.constant 2 : i32
      %mul3A_652 = arith.muli %mul3A_651, %scan3A_291 : i32
      %add3A_653 = arith.constant 1 : i32
      %add3A_654 = arith.addi %mul3A_652, %add3A_653 : i32
      %mul3A_655 = arith.constant 32 : i32
      %mul3A_656 = arith.muli %mul3A_655, %add3A_654 : i32
      %add3A_657 = arith.addi %add3A, %mul3A_656 : i32
      %jit3A_658 = arith.constant 8 : i32
      %div3A_659 = arith.divsi %add3A_657, %jit3A_658 : i32
      %sign3A_660 = arith.constant 0 : i32
      %sign3A_661 = arith.cmpi sgt, %add3A_657, %sign3A_660 : i32
      %sign3A_662 = arith.extui %sign3A_661 : i1 to i32
      %sign3A_663 = arith.constant 0 : i32
      %sign3A_664 = arith.cmpi slt, %add3A_657, %sign3A_663 : i32
      %sign3A_665 = arith.extui %sign3A_664 : i1 to i32
      %sign3A_666 = arith.subi %sign3A_662, %sign3A_665 : i32
      %sign3A_667 = arith.constant 0 : i32
      %sign3A_668 = arith.cmpi sgt, %jit3A_658, %sign3A_667 : i32
      %sign3A_669 = arith.extui %sign3A_668 : i1 to i32
      %sign3A_670 = arith.constant 0 : i32
      %sign3A_671 = arith.cmpi slt, %jit3A_658, %sign3A_670 : i32
      %sign3A_672 = arith.extui %sign3A_671 : i1 to i32
      %sign3A_673 = arith.subi %sign3A_669, %sign3A_672 : i32
      %ne3A_674 = arith.cmpi ne, %sign3A_666, %sign3A_673 : i32
      %rem3A_675 = arith.remsi %add3A_657, %jit3A_658 : i32
      %ne3A_676 = arith.constant 0 : i32
      %ne3A_677 = arith.cmpi ne, %rem3A_675, %ne3A_676 : i32
      %and3A_678 = arith.andi %ne3A_674, %ne3A_677 : i1
      %sub3A_679 = arith.constant 1 : i32
      %sub3A_680 = arith.subi %div3A_659, %sub3A_679 : i32
      %select_n3A_681 = arith.select %and3A_678, %sub3A_680, %div3A_659 : i32
      %jit3A_682 = arith.constant 8 : i32
      %eq3A_683 = arith.constant 0 : i32
      %eq3A_684 = arith.cmpi eq, %jit3A_682, %eq3A_683 : i32
      %jit3A_685 = arith.constant 1 : i32
      %select_n3A_686 = arith.select %eq3A_684, %jit3A_685, %jit3A_682 : i32
      %rem3A_687 = arith.remsi %add3A_657, %select_n3A_686 : i32
      %ne3A_688 = arith.constant 0 : i32
      %ne3A_689 = arith.cmpi ne, %rem3A_687, %ne3A_688 : i32
      %lt3A_690 = arith.constant 0 : i32
      %lt3A_691 = arith.cmpi slt, %rem3A_687, %lt3A_690 : i32
      %lt3A_692 = arith.constant 0 : i32
      %lt3A_693 = arith.cmpi slt, %select_n3A_686, %lt3A_692 : i32
      %ne3A_694 = arith.xori %lt3A_691, %lt3A_693 : i1
      %and3A_695 = arith.andi %ne3A_694, %ne3A_689 : i1
      %add3A_696 = arith.addi %rem3A_687, %select_n3A_686 : i32
      %select_n3A_697 = arith.select %and3A_695, %add3A_696, %rem3A_687 : i32
      %jit3A_698 = arith.constant 1 : i32
      %div3A_699 = arith.divsi %select_n3A_697, %jit3A_698 : i32
      %sign3A_700 = arith.constant 0 : i32
      %sign3A_701 = arith.cmpi sgt, %select_n3A_697, %sign3A_700 : i32
      %sign3A_702 = arith.extui %sign3A_701 : i1 to i32
      %sign3A_703 = arith.constant 0 : i32
      %sign3A_704 = arith.cmpi slt, %select_n3A_697, %sign3A_703 : i32
      %sign3A_705 = arith.extui %sign3A_704 : i1 to i32
      %sign3A_706 = arith.subi %sign3A_702, %sign3A_705 : i32
      %sign3A_707 = arith.constant 0 : i32
      %sign3A_708 = arith.cmpi sgt, %jit3A_698, %sign3A_707 : i32
      %sign3A_709 = arith.extui %sign3A_708 : i1 to i32
      %sign3A_710 = arith.constant 0 : i32
      %sign3A_711 = arith.cmpi slt, %jit3A_698, %sign3A_710 : i32
      %sign3A_712 = arith.extui %sign3A_711 : i1 to i32
      %sign3A_713 = arith.subi %sign3A_709, %sign3A_712 : i32
      %ne3A_714 = arith.cmpi ne, %sign3A_706, %sign3A_713 : i32
      %rem3A_715 = arith.remsi %select_n3A_697, %jit3A_698 : i32
      %ne3A_716 = arith.constant 0 : i32
      %ne3A_717 = arith.cmpi ne, %rem3A_715, %ne3A_716 : i32
      %and3A_718 = arith.andi %ne3A_714, %ne3A_717 : i1
      %sub3A_719 = arith.constant 1 : i32
      %sub3A_720 = arith.subi %div3A_699, %sub3A_719 : i32
      %select_n3A_721 = arith.select %and3A_718, %sub3A_720, %div3A_699 : i32
      %jit3A_722 = arith.constant 1 : i32
      %eq3A_723 = arith.constant 0 : i32
      %eq3A_724 = arith.cmpi eq, %jit3A_722, %eq3A_723 : i32
      %jit3A_725 = arith.constant 1 : i32
      %select_n3A_726 = arith.select %eq3A_724, %jit3A_725, %jit3A_722 : i32
      %rem3A_727 = arith.remsi %select_n3A_697, %select_n3A_726 : i32
      %ne3A_728 = arith.constant 0 : i32
      %ne3A_729 = arith.cmpi ne, %rem3A_727, %ne3A_728 : i32
      %lt3A_730 = arith.constant 0 : i32
      %lt3A_731 = arith.cmpi slt, %rem3A_727, %lt3A_730 : i32
      %lt3A_732 = arith.constant 0 : i32
      %lt3A_733 = arith.cmpi slt, %select_n3A_726, %lt3A_732 : i32
      %ne3A_734 = arith.xori %lt3A_731, %lt3A_733 : i1
      %and3A_735 = arith.andi %ne3A_734, %ne3A_729 : i1
      %add3A_736 = arith.addi %rem3A_727, %select_n3A_726 : i32
      %select_n3A_737 = arith.select %and3A_735, %add3A_736, %rem3A_727 : i32
      %add3A_738 = arith.constant 1 : i32
      %add3A_739 = arith.addi %add3A_654, %add3A_738 : i32
      %lt3A_740 = arith.constant 50 : i32
      %lt3A_741 = arith.cmpi slt, %add3A_739, %lt3A_740 : i32
      %convert_element_type3A_742 = arith.extui %lt3A_741 : i1 to i32
      %cond3A_743 = arith.constant 0 : i32
      %cond3A_744 = arith.cmpi ne, %convert_element_type3A_742, %cond3A_743 : i32
      scf.if %cond3A_744 {
        %add3A_1014 = arith.constant 1 : i32
        %add3A_1015 = arith.addi %add3A_654, %add3A_1014 : i32
        %mul3A_1016 = arith.constant 32 : i32
        %mul3A_1017 = arith.muli %mul3A_1016, %add3A_1015 : i32
        %add3A_1018 = arith.addi %add3A, %mul3A_1017 : i32
        %jit3A_1019 = arith.constant 8 : i32
        %div3A_1020 = arith.divsi %add3A_1018, %jit3A_1019 : i32
        %sign3A_1021 = arith.constant 0 : i32
        %sign3A_1022 = arith.cmpi sgt, %add3A_1018, %sign3A_1021 : i32
        %sign3A_1023 = arith.extui %sign3A_1022 : i1 to i32
        %sign3A_1024 = arith.constant 0 : i32
        %sign3A_1025 = arith.cmpi slt, %add3A_1018, %sign3A_1024 : i32
        %sign3A_1026 = arith.extui %sign3A_1025 : i1 to i32
        %sign3A_1027 = arith.subi %sign3A_1023, %sign3A_1026 : i32
        %sign3A_1028 = arith.constant 0 : i32
        %sign3A_1029 = arith.cmpi sgt, %jit3A_1019, %sign3A_1028 : i32
        %sign3A_1030 = arith.extui %sign3A_1029 : i1 to i32
        %sign3A_1031 = arith.constant 0 : i32
        %sign3A_1032 = arith.cmpi slt, %jit3A_1019, %sign3A_1031 : i32
        %sign3A_1033 = arith.extui %sign3A_1032 : i1 to i32
        %sign3A_1034 = arith.subi %sign3A_1030, %sign3A_1033 : i32
        %ne3A_1035 = arith.cmpi ne, %sign3A_1027, %sign3A_1034 : i32
        %rem3A_1036 = arith.remsi %add3A_1018, %jit3A_1019 : i32
        %ne3A_1037 = arith.constant 0 : i32
        %ne3A_1038 = arith.cmpi ne, %rem3A_1036, %ne3A_1037 : i32
        %and3A_1039 = arith.andi %ne3A_1035, %ne3A_1038 : i1
        %sub3A_1040 = arith.constant 1 : i32
        %sub3A_1041 = arith.subi %div3A_1020, %sub3A_1040 : i32
        %select_n3A_1042 = arith.select %and3A_1039, %sub3A_1041, %div3A_1020 : i32
        %jit3A_1043 = arith.constant 8 : i32
        %eq3A_1044 = arith.constant 0 : i32
        %eq3A_1045 = arith.cmpi eq, %jit3A_1043, %eq3A_1044 : i32
        %jit3A_1046 = arith.constant 1 : i32
        %select_n3A_1047 = arith.select %eq3A_1045, %jit3A_1046, %jit3A_1043 : i32
        %rem3A_1048 = arith.remsi %add3A_1018, %select_n3A_1047 : i32
        %ne3A_1049 = arith.constant 0 : i32
        %ne3A_1050 = arith.cmpi ne, %rem3A_1048, %ne3A_1049 : i32
        %lt3A_1051 = arith.constant 0 : i32
        %lt3A_1052 = arith.cmpi slt, %rem3A_1048, %lt3A_1051 : i32
        %lt3A_1053 = arith.constant 0 : i32
        %lt3A_1054 = arith.cmpi slt, %select_n3A_1047, %lt3A_1053 : i32
        %ne3A_1055 = arith.xori %lt3A_1052, %lt3A_1054 : i1
        %and3A_1056 = arith.andi %ne3A_1055, %ne3A_1050 : i1
        %add3A_1057 = arith.addi %rem3A_1048, %select_n3A_1047 : i32
        %select_n3A_1058 = arith.select %and3A_1056, %add3A_1057, %rem3A_1048 : i32
        %jit3A_1059 = arith.constant 1 : i32
        %div3A_1060 = arith.divsi %select_n3A_1058, %jit3A_1059 : i32
        %sign3A_1061 = arith.constant 0 : i32
        %sign3A_1062 = arith.cmpi sgt, %select_n3A_1058, %sign3A_1061 : i32
        %sign3A_1063 = arith.extui %sign3A_1062 : i1 to i32
        %sign3A_1064 = arith.constant 0 : i32
        %sign3A_1065 = arith.cmpi slt, %select_n3A_1058, %sign3A_1064 : i32
        %sign3A_1066 = arith.extui %sign3A_1065 : i1 to i32
        %sign3A_1067 = arith.subi %sign3A_1063, %sign3A_1066 : i32
        %sign3A_1068 = arith.constant 0 : i32
        %sign3A_1069 = arith.cmpi sgt, %jit3A_1059, %sign3A_1068 : i32
        %sign3A_1070 = arith.extui %sign3A_1069 : i1 to i32
        %sign3A_1071 = arith.constant 0 : i32
        %sign3A_1072 = arith.cmpi slt, %jit3A_1059, %sign3A_1071 : i32
        %sign3A_1073 = arith.extui %sign3A_1072 : i1 to i32
        %sign3A_1074 = arith.subi %sign3A_1070, %sign3A_1073 : i32
        %ne3A_1075 = arith.cmpi ne, %sign3A_1067, %sign3A_1074 : i32
        %rem3A_1076 = arith.remsi %select_n3A_1058, %jit3A_1059 : i32
        %ne3A_1077 = arith.constant 0 : i32
        %ne3A_1078 = arith.cmpi ne, %rem3A_1076, %ne3A_1077 : i32
        %and3A_1079 = arith.andi %ne3A_1075, %ne3A_1078 : i1
        %sub3A_1080 = arith.constant 1 : i32
        %sub3A_1081 = arith.subi %div3A_1060, %sub3A_1080 : i32
        %select_n3A_1082 = arith.select %and3A_1079, %sub3A_1081, %div3A_1060 : i32
        %jit3A_1083 = arith.constant 1 : i32
        %eq3A_1084 = arith.constant 0 : i32
        %eq3A_1085 = arith.cmpi eq, %jit3A_1083, %eq3A_1084 : i32
        %jit3A_1086 = arith.constant 1 : i32
        %select_n3A_1087 = arith.select %eq3A_1085, %jit3A_1086, %jit3A_1083 : i32
        %rem3A_1088 = arith.remsi %select_n3A_1058, %select_n3A_1087 : i32
        %ne3A_1089 = arith.constant 0 : i32
        %ne3A_1090 = arith.cmpi ne, %rem3A_1088, %ne3A_1089 : i32
        %lt3A_1091 = arith.constant 0 : i32
        %lt3A_1092 = arith.cmpi slt, %rem3A_1088, %lt3A_1091 : i32
        %lt3A_1093 = arith.constant 0 : i32
        %lt3A_1094 = arith.cmpi slt, %select_n3A_1087, %lt3A_1093 : i32
        %ne3A_1095 = arith.xori %lt3A_1092, %lt3A_1094 : i1
        %and3A_1096 = arith.andi %ne3A_1095, %ne3A_1090 : i1
        %add3A_1097 = arith.addi %rem3A_1088, %select_n3A_1087 : i32
        %select_n3A_1098 = arith.select %and3A_1096, %add3A_1097, %rem3A_1088 : i32
        %mul3A_1099 = arith.constant 1 : i32
        %mul3A_1100 = arith.muli %select_n3A_1042, %mul3A_1099 : i32
        %mul3A_1101 = arith.constant 4096 : i32
        %mul3A_1102 = arith.muli %select_n3A_1098, %mul3A_1101 : i32
        %dma_start3A_1103 = arith.constant 0 : i32
        %dma_start3A_1104 = arith.constant 0 : i32
        %dma_start3A_1105 = arith.constant 0 : i32
        %dma_start3A_1106 = tpu.memref_slice %arg6[%dma_start3A_1103, %dma_start3A_1104, %dma_start3A_1105] : memref<2x1x4096xi32, #tpu.memory_space<vmem>> -> memref<1x1x4096xi32, #tpu.memory_space<vmem>>
        %dma_start3A_1107 = tpu.memref_squeeze %dma_start3A_1106 : memref<1x1x4096xi32, #tpu.memory_space<vmem>> -> memref<1x4096xi32, #tpu.memory_space<vmem>>
        %dma_start3A_1108 = tpu.memref_slice %arg3[%mul3A_1100, %mul3A_1102] : memref<200x4096xi32, #tpu.memory_space<hbm>> -> memref<1x4096xi32, #tpu.memory_space<hbm>>
        %dma_start3A_1109 = arith.constant 0 : i32
        %dma_start3A_1110 = arith.constant 0 : i32
        %dma_start3A_1111 = tpu.memref_slice %arg6[%dma_start3A_1103, %dma_start3A_1109, %dma_start3A_1110] : memref<2x1x4096xi32, #tpu.memory_space<vmem>> -> memref<1x1x4096xi32, #tpu.memory_space<vmem>>
        %dma_start3A_1112 = tpu.memref_squeeze %dma_start3A_1111 : memref<1x1x4096xi32, #tpu.memory_space<vmem>> -> memref<1x4096xi32, #tpu.memory_space<vmem>>
        %dma_start3A_1113 = tpu.memref_slice %arg3[%mul3A_1100, %mul3A_1102] : memref<200x4096xi32, #tpu.memory_space<hbm>> -> memref<1x4096xi32, #tpu.memory_space<hbm>>
        tpu.enqueue_dma source(%dma_start3A_1113 : memref<1x4096xi32, #tpu.memory_space<hbm>>) target(%dma_start3A_1112 : memref<1x4096xi32, #tpu.memory_space<vmem>>) target_semaphore(%arg8 : memref<!tpu.dma_semaphore, #tpu.memory_space<semaphore_mem>>)
      } else {
      }
      %jit3A_745 = arith.constant 8 : i32
      %div3A_746 = arith.divsi %add3A_657, %jit3A_745 : i32
      %sign3A_747 = arith.constant 0 : i32
      %sign3A_748 = arith.cmpi sgt, %add3A_657, %sign3A_747 : i32
      %sign3A_749 = arith.extui %sign3A_748 : i1 to i32
      %sign3A_750 = arith.constant 0 : i32
      %sign3A_751 = arith.cmpi slt, %add3A_657, %sign3A_750 : i32
      %sign3A_752 = arith.extui %sign3A_751 : i1 to i32
      %sign3A_753 = arith.subi %sign3A_749, %sign3A_752 : i32
      %sign3A_754 = arith.constant 0 : i32
      %sign3A_755 = arith.cmpi sgt, %jit3A_745, %sign3A_754 : i32
      %sign3A_756 = arith.extui %sign3A_755 : i1 to i32
      %sign3A_757 = arith.constant 0 : i32
      %sign3A_758 = arith.cmpi slt, %jit3A_745, %sign3A_757 : i32
      %sign3A_759 = arith.extui %sign3A_758 : i1 to i32
      %sign3A_760 = arith.subi %sign3A_756, %sign3A_759 : i32
      %ne3A_761 = arith.cmpi ne, %sign3A_753, %sign3A_760 : i32
      %rem3A_762 = arith.remsi %add3A_657, %jit3A_745 : i32
      %ne3A_763 = arith.constant 0 : i32
      %ne3A_764 = arith.cmpi ne, %rem3A_762, %ne3A_763 : i32
      %and3A_765 = arith.andi %ne3A_761, %ne3A_764 : i1
      %sub3A_766 = arith.constant 1 : i32
      %sub3A_767 = arith.subi %div3A_746, %sub3A_766 : i32
      %select_n3A_768 = arith.select %and3A_765, %sub3A_767, %div3A_746 : i32
      %jit3A_769 = arith.constant 8 : i32
      %eq3A_770 = arith.constant 0 : i32
      %eq3A_771 = arith.cmpi eq, %jit3A_769, %eq3A_770 : i32
      %jit3A_772 = arith.constant 1 : i32
      %select_n3A_773 = arith.select %eq3A_771, %jit3A_772, %jit3A_769 : i32
      %rem3A_774 = arith.remsi %add3A_657, %select_n3A_773 : i32
      %ne3A_775 = arith.constant 0 : i32
      %ne3A_776 = arith.cmpi ne, %rem3A_774, %ne3A_775 : i32
      %lt3A_777 = arith.constant 0 : i32
      %lt3A_778 = arith.cmpi slt, %rem3A_774, %lt3A_777 : i32
      %lt3A_779 = arith.constant 0 : i32
      %lt3A_780 = arith.cmpi slt, %select_n3A_773, %lt3A_779 : i32
      %ne3A_781 = arith.xori %lt3A_778, %lt3A_780 : i1
      %and3A_782 = arith.andi %ne3A_781, %ne3A_776 : i1
      %add3A_783 = arith.addi %rem3A_774, %select_n3A_773 : i32
      %select_n3A_784 = arith.select %and3A_782, %add3A_783, %rem3A_774 : i32
      %jit3A_785 = arith.constant 1 : i32
      %div3A_786 = arith.divsi %select_n3A_784, %jit3A_785 : i32
      %sign3A_787 = arith.constant 0 : i32
      %sign3A_788 = arith.cmpi sgt, %select_n3A_784, %sign3A_787 : i32
      %sign3A_789 = arith.extui %sign3A_788 : i1 to i32
      %sign3A_790 = arith.constant 0 : i32
      %sign3A_791 = arith.cmpi slt, %select_n3A_784, %sign3A_790 : i32
      %sign3A_792 = arith.extui %sign3A_791 : i1 to i32
      %sign3A_793 = arith.subi %sign3A_789, %sign3A_792 : i32
      %sign3A_794 = arith.constant 0 : i32
      %sign3A_795 = arith.cmpi sgt, %jit3A_785, %sign3A_794 : i32
      %sign3A_796 = arith.extui %sign3A_795 : i1 to i32
      %sign3A_797 = arith.constant 0 : i32
      %sign3A_798 = arith.cmpi slt, %jit3A_785, %sign3A_797 : i32
      %sign3A_799 = arith.extui %sign3A_798 : i1 to i32
      %sign3A_800 = arith.subi %sign3A_796, %sign3A_799 : i32
      %ne3A_801 = arith.cmpi ne, %sign3A_793, %sign3A_800 : i32
      %rem3A_802 = arith.remsi %select_n3A_784, %jit3A_785 : i32
      %ne3A_803 = arith.constant 0 : i32
      %ne3A_804 = arith.cmpi ne, %rem3A_802, %ne3A_803 : i32
      %and3A_805 = arith.andi %ne3A_801, %ne3A_804 : i1
      %sub3A_806 = arith.constant 1 : i32
      %sub3A_807 = arith.subi %div3A_786, %sub3A_806 : i32
      %select_n3A_808 = arith.select %and3A_805, %sub3A_807, %div3A_786 : i32
      %jit3A_809 = arith.constant 1 : i32
      %eq3A_810 = arith.constant 0 : i32
      %eq3A_811 = arith.cmpi eq, %jit3A_809, %eq3A_810 : i32
      %jit3A_812 = arith.constant 1 : i32
      %select_n3A_813 = arith.select %eq3A_811, %jit3A_812, %jit3A_809 : i32
      %rem3A_814 = arith.remsi %select_n3A_784, %select_n3A_813 : i32
      %ne3A_815 = arith.constant 0 : i32
      %ne3A_816 = arith.cmpi ne, %rem3A_814, %ne3A_815 : i32
      %lt3A_817 = arith.constant 0 : i32
      %lt3A_818 = arith.cmpi slt, %rem3A_814, %lt3A_817 : i32
      %lt3A_819 = arith.constant 0 : i32
      %lt3A_820 = arith.cmpi slt, %select_n3A_813, %lt3A_819 : i32
      %ne3A_821 = arith.xori %lt3A_818, %lt3A_820 : i1
      %and3A_822 = arith.andi %ne3A_821, %ne3A_816 : i1
      %add3A_823 = arith.addi %rem3A_814, %select_n3A_813 : i32
      %select_n3A_824 = arith.select %and3A_822, %add3A_823, %rem3A_814 : i32
      %mul3A_825 = arith.constant 1 : i32
      %mul3A_826 = arith.muli %select_n3A_768, %mul3A_825 : i32
      %mul3A_827 = arith.constant 4096 : i32
      %mul3A_828 = arith.muli %select_n3A_824, %mul3A_827 : i32
      %dma_wait3A_829 = arith.constant 1 : i32
      %dma_wait3A_830 = arith.constant 0 : i32
      %dma_wait3A_831 = arith.constant 0 : i32
      %dma_wait3A_832 = tpu.memref_slice %arg6[%dma_wait3A_829, %dma_wait3A_830, %dma_wait3A_831] : memref<2x1x4096xi32, #tpu.memory_space<vmem>> -> memref<1x1x4096xi32, #tpu.memory_space<vmem>>
      %dma_wait3A_833 = tpu.memref_squeeze %dma_wait3A_832 : memref<1x1x4096xi32, #tpu.memory_space<vmem>> -> memref<1x4096xi32, #tpu.memory_space<vmem>>
      %dma_wait3A_834 = tpu.memref_slice %arg3[%mul3A_826, %mul3A_828] : memref<200x4096xi32, #tpu.memory_space<hbm>> -> memref<1x4096xi32, #tpu.memory_space<hbm>>
      %dma_wait3A_835 = arith.constant 0 : i32
      %dma_wait3A_836 = arith.constant 0 : i32
      %dma_wait3A_837 = tpu.memref_slice %arg6[%dma_wait3A_829, %dma_wait3A_835, %dma_wait3A_836] : memref<2x1x4096xi32, #tpu.memory_space<vmem>> -> memref<1x1x4096xi32, #tpu.memory_space<vmem>>
      %dma_wait3A_838 = tpu.memref_squeeze %dma_wait3A_837 : memref<1x1x4096xi32, #tpu.memory_space<vmem>> -> memref<1x4096xi32, #tpu.memory_space<vmem>>
      %dma_wait3A_839 = tpu.memref_slice %arg3[%mul3A_826, %mul3A_828] : memref<200x4096xi32, #tpu.memory_space<hbm>> -> memref<1x4096xi32, #tpu.memory_space<hbm>>
      tpu.wait_dma2 semaphore(%arg9 : memref<!tpu.dma_semaphore, #tpu.memory_space<semaphore_mem>>) src(%dma_wait3A_839 : memref<1x4096xi32, #tpu.memory_space<hbm>>) dst(%dma_wait3A_838 : memref<1x4096xi32, #tpu.memory_space<vmem>>)
      %gt3A_840 = arith.constant 0 : i32
      %gt3A_841 = arith.cmpi sgt, %scan3A_291, %gt3A_840 : i32
      %convert_element_type3A_842 = arith.extui %gt3A_841 : i1 to i32
      %cond3A_843 = arith.constant 0 : i32
      %cond3A_844 = arith.cmpi ne, %convert_element_type3A_842, %cond3A_843 : i32
      scf.if %cond3A_844 {
        %sub3A_1014 = arith.constant 2 : i32
        %sub3A_1015 = arith.subi %add3A_654, %sub3A_1014 : i32
        %mul3A_1016 = arith.constant 32 : i32
        %mul3A_1017 = arith.muli %mul3A_1016, %sub3A_1015 : i32
        %add3A_1018 = arith.addi %add3A, %mul3A_1017 : i32
        %jit3A_1019 = arith.constant 8 : i32
        %div3A_1020 = arith.divsi %add3A_1018, %jit3A_1019 : i32
        %sign3A_1021 = arith.constant 0 : i32
        %sign3A_1022 = arith.cmpi sgt, %add3A_1018, %sign3A_1021 : i32
        %sign3A_1023 = arith.extui %sign3A_1022 : i1 to i32
        %sign3A_1024 = arith.constant 0 : i32
        %sign3A_1025 = arith.cmpi slt, %add3A_1018, %sign3A_1024 : i32
        %sign3A_1026 = arith.extui %sign3A_1025 : i1 to i32
        %sign3A_1027 = arith.subi %sign3A_1023, %sign3A_1026 : i32
        %sign3A_1028 = arith.constant 0 : i32
        %sign3A_1029 = arith.cmpi sgt, %jit3A_1019, %sign3A_1028 : i32
        %sign3A_1030 = arith.extui %sign3A_1029 : i1 to i32
        %sign3A_1031 = arith.constant 0 : i32
        %sign3A_1032 = arith.cmpi slt, %jit3A_1019, %sign3A_1031 : i32
        %sign3A_1033 = arith.extui %sign3A_1032 : i1 to i32
        %sign3A_1034 = arith.subi %sign3A_1030, %sign3A_1033 : i32
        %ne3A_1035 = arith.cmpi ne, %sign3A_1027, %sign3A_1034 : i32
        %rem3A_1036 = arith.remsi %add3A_1018, %jit3A_1019 : i32
        %ne3A_1037 = arith.constant 0 : i32
        %ne3A_1038 = arith.cmpi ne, %rem3A_1036, %ne3A_1037 : i32
        %and3A_1039 = arith.andi %ne3A_1035, %ne3A_1038 : i1
        %sub3A_1040 = arith.constant 1 : i32
        %sub3A_1041 = arith.subi %div3A_1020, %sub3A_1040 : i32
        %select_n3A_1042 = arith.select %and3A_1039, %sub3A_1041, %div3A_1020 : i32
        %jit3A_1043 = arith.constant 8 : i32
        %eq3A_1044 = arith.constant 0 : i32
        %eq3A_1045 = arith.cmpi eq, %jit3A_1043, %eq3A_1044 : i32
        %jit3A_1046 = arith.constant 1 : i32
        %select_n3A_1047 = arith.select %eq3A_1045, %jit3A_1046, %jit3A_1043 : i32
        %rem3A_1048 = arith.remsi %add3A_1018, %select_n3A_1047 : i32
        %ne3A_1049 = arith.constant 0 : i32
        %ne3A_1050 = arith.cmpi ne, %rem3A_1048, %ne3A_1049 : i32
        %lt3A_1051 = arith.constant 0 : i32
        %lt3A_1052 = arith.cmpi slt, %rem3A_1048, %lt3A_1051 : i32
        %lt3A_1053 = arith.constant 0 : i32
        %lt3A_1054 = arith.cmpi slt, %select_n3A_1047, %lt3A_1053 : i32
        %ne3A_1055 = arith.xori %lt3A_1052, %lt3A_1054 : i1
        %and3A_1056 = arith.andi %ne3A_1055, %ne3A_1050 : i1
        %add3A_1057 = arith.addi %rem3A_1048, %select_n3A_1047 : i32
        %select_n3A_1058 = arith.select %and3A_1056, %add3A_1057, %rem3A_1048 : i32
        %jit3A_1059 = arith.constant 1 : i32
        %div3A_1060 = arith.divsi %select_n3A_1058, %jit3A_1059 : i32
        %sign3A_1061 = arith.constant 0 : i32
        %sign3A_1062 = arith.cmpi sgt, %select_n3A_1058, %sign3A_1061 : i32
        %sign3A_1063 = arith.extui %sign3A_1062 : i1 to i32
        %sign3A_1064 = arith.constant 0 : i32
        %sign3A_1065 = arith.cmpi slt, %select_n3A_1058, %sign3A_1064 : i32
        %sign3A_1066 = arith.extui %sign3A_1065 : i1 to i32
        %sign3A_1067 = arith.subi %sign3A_1063, %sign3A_1066 : i32
        %sign3A_1068 = arith.constant 0 : i32
        %sign3A_1069 = arith.cmpi sgt, %jit3A_1059, %sign3A_1068 : i32
        %sign3A_1070 = arith.extui %sign3A_1069 : i1 to i32
        %sign3A_1071 = arith.constant 0 : i32
        %sign3A_1072 = arith.cmpi slt, %jit3A_1059, %sign3A_1071 : i32
        %sign3A_1073 = arith.extui %sign3A_1072 : i1 to i32
        %sign3A_1074 = arith.subi %sign3A_1070, %sign3A_1073 : i32
        %ne3A_1075 = arith.cmpi ne, %sign3A_1067, %sign3A_1074 : i32
        %rem3A_1076 = arith.remsi %select_n3A_1058, %jit3A_1059 : i32
        %ne3A_1077 = arith.constant 0 : i32
        %ne3A_1078 = arith.cmpi ne, %rem3A_1076, %ne3A_1077 : i32
        %and3A_1079 = arith.andi %ne3A_1075, %ne3A_1078 : i1
        %sub3A_1080 = arith.constant 1 : i32
        %sub3A_1081 = arith.subi %div3A_1060, %sub3A_1080 : i32
        %select_n3A_1082 = arith.select %and3A_1079, %sub3A_1081, %div3A_1060 : i32
        %jit3A_1083 = arith.constant 1 : i32
        %eq3A_1084 = arith.constant 0 : i32
        %eq3A_1085 = arith.cmpi eq, %jit3A_1083, %eq3A_1084 : i32
        %jit3A_1086 = arith.constant 1 : i32
        %select_n3A_1087 = arith.select %eq3A_1085, %jit3A_1086, %jit3A_1083 : i32
        %rem3A_1088 = arith.remsi %select_n3A_1058, %select_n3A_1087 : i32
        %ne3A_1089 = arith.constant 0 : i32
        %ne3A_1090 = arith.cmpi ne, %rem3A_1088, %ne3A_1089 : i32
        %lt3A_1091 = arith.constant 0 : i32
        %lt3A_1092 = arith.cmpi slt, %rem3A_1088, %lt3A_1091 : i32
        %lt3A_1093 = arith.constant 0 : i32
        %lt3A_1094 = arith.cmpi slt, %select_n3A_1087, %lt3A_1093 : i32
        %ne3A_1095 = arith.xori %lt3A_1092, %lt3A_1094 : i1
        %and3A_1096 = arith.andi %ne3A_1095, %ne3A_1090 : i1
        %add3A_1097 = arith.addi %rem3A_1088, %select_n3A_1087 : i32
        %select_n3A_1098 = arith.select %and3A_1096, %add3A_1097, %rem3A_1088 : i32
        %mul3A_1099 = arith.constant 1 : i32
        %mul3A_1100 = arith.muli %select_n3A_1042, %mul3A_1099 : i32
        %mul3A_1101 = arith.constant 8 : i32
        %mul3A_1102 = arith.muli %select_n3A_1082, %mul3A_1101 : i32
        %mul3A_1103 = arith.constant 4096 : i32
        %mul3A_1104 = arith.muli %select_n3A_1098, %mul3A_1103 : i32
        %dma_wait3A_1105 = arith.constant 1 : i32
        %dma_wait3A_1106 = arith.constant 0 : i32
        %dma_wait3A_1107 = arith.constant 0 : i32
        %dma_wait3A_1108 = arith.constant 0 : i32
        %dma_wait3A_1109 = tpu.memref_slice %arg7[%dma_wait3A_1105, %dma_wait3A_1106, %dma_wait3A_1107, %dma_wait3A_1108] : memref<2x1x8x4096xf32, #tpu.memory_space<vmem>> -> memref<1x1x8x4096xf32, #tpu.memory_space<vmem>>
        %dma_wait3A_1110 = tpu.memref_squeeze %dma_wait3A_1109 : memref<1x1x8x4096xf32, #tpu.memory_space<vmem>> -> memref<1x8x4096xf32, #tpu.memory_space<vmem>>
        %dma_wait3A_1111 = tpu.memref_slice %arg4[%mul3A_1100, %mul3A_1102, %mul3A_1104] : memref<200x64x4096xf32, #tpu.memory_space<hbm>> -> memref<1x8x4096xf32, #tpu.memory_space<hbm>>
        %dma_wait3A_1112 = tpu.memref_slice %arg4[%mul3A_1100, %mul3A_1102, %mul3A_1104] : memref<200x64x4096xf32, #tpu.memory_space<hbm>> -> memref<1x8x4096xf32, #tpu.memory_space<hbm>>
        %dma_wait3A_1113 = arith.constant 0 : i32
        %dma_wait3A_1114 = arith.constant 0 : i32
        %dma_wait3A_1115 = arith.constant 0 : i32
        %dma_wait3A_1116 = tpu.memref_slice %arg7[%dma_wait3A_1105, %dma_wait3A_1113, %dma_wait3A_1114, %dma_wait3A_1115] : memref<2x1x8x4096xf32, #tpu.memory_space<vmem>> -> memref<1x1x8x4096xf32, #tpu.memory_space<vmem>>
        %dma_wait3A_1117 = tpu.memref_squeeze %dma_wait3A_1116 : memref<1x1x8x4096xf32, #tpu.memory_space<vmem>> -> memref<1x8x4096xf32, #tpu.memory_space<vmem>>
        tpu.wait_dma2 semaphore(%arg11 : memref<!tpu.dma_semaphore, #tpu.memory_space<semaphore_mem>>) src(%dma_wait3A_1117 : memref<1x8x4096xf32, #tpu.memory_space<vmem>>) dst(%dma_wait3A_1112 : memref<1x8x4096xf32, #tpu.memory_space<hbm>>)
      } else {
      }
      %mul3A_845 = arith.constant 8 : i32
      %mul3A_846 = arith.muli %select_n3A_721, %mul3A_845 : i32
      %add3A_847 = arith.constant 0 : i32
      %add3A_848 = arith.addi %mul3A_846, %add3A_847 : i32
      %mul3A_849 = arith.constant 16 : i32
      %mul3A_850 = arith.muli %add3A_848, %mul3A_849 : i32
      %get3A_851 = arith.index_cast %mul3A_850 : i32 to index
      %get3A_852 = tpu.vector_load %arg5[%get3A_851] {strides = array<i32>} : memref<1024xf32, #tpu.memory_space<vmem>>, vector<16xf32>,
      %mul3A_853 = arith.constant 8 : i32
      %mul3A_854 = arith.muli %select_n3A_721, %mul3A_853 : i32
      %add3A_855 = arith.constant 1 : i32
      %add3A_856 = arith.addi %mul3A_854, %add3A_855 : i32
      %mul3A_857 = arith.constant 16 : i32
      %mul3A_858 = arith.muli %add3A_856, %mul3A_857 : i32
      %get3A_859 = arith.index_cast %mul3A_858 : i32 to index
      %get3A_860 = tpu.vector_load %arg5[%get3A_859] {strides = array<i32>} : memref<1024xf32, #tpu.memory_space<vmem>>, vector<16xf32>,
      %mul3A_861 = arith.constant 8 : i32
      %mul3A_862 = arith.muli %select_n3A_721, %mul3A_861 : i32
      %add3A_863 = arith.constant 2 : i32
      %add3A_864 = arith.addi %mul3A_862, %add3A_863 : i32
      %mul3A_865 = arith.constant 16 : i32
      %mul3A_866 = arith.muli %add3A_864, %mul3A_865 : i32
      %get3A_867 = arith.index_cast %mul3A_866 : i32 to index
      %get3A_868 = tpu.vector_load %arg5[%get3A_867] {strides = array<i32>} : memref<1024xf32, #tpu.memory_space<vmem>>, vector<16xf32>,
      %mul3A_869 = arith.constant 8 : i32
      %mul3A_870 = arith.muli %select_n3A_721, %mul3A_869 : i32
      %add3A_871 = arith.constant 3 : i32
      %add3A_872 = arith.addi %mul3A_870, %add3A_871 : i32
      %mul3A_873 = arith.constant 16 : i32
      %mul3A_874 = arith.muli %add3A_872, %mul3A_873 : i32
      %get3A_875 = arith.index_cast %mul3A_874 : i32 to index
      %get3A_876 = tpu.vector_load %arg5[%get3A_875] {strides = array<i32>} : memref<1024xf32, #tpu.memory_space<vmem>>, vector<16xf32>,
      %mul3A_877 = arith.constant 8 : i32
      %mul3A_878 = arith.muli %select_n3A_721, %mul3A_877 : i32
      %add3A_879 = arith.constant 4 : i32
      %add3A_880 = arith.addi %mul3A_878, %add3A_879 : i32
      %mul3A_881 = arith.constant 16 : i32
      %mul3A_882 = arith.muli %add3A_880, %mul3A_881 : i32
      %get3A_883 = arith.index_cast %mul3A_882 : i32 to index
      %get3A_884 = tpu.vector_load %arg5[%get3A_883] {strides = array<i32>} : memref<1024xf32, #tpu.memory_space<vmem>>, vector<16xf32>,
      %mul3A_885 = arith.constant 8 : i32
      %mul3A_886 = arith.muli %select_n3A_721, %mul3A_885 : i32
      %add3A_887 = arith.constant 5 : i32
      %add3A_888 = arith.addi %mul3A_886, %add3A_887 : i32
      %mul3A_889 = arith.constant 16 : i32
      %mul3A_890 = arith.muli %add3A_888, %mul3A_889 : i32
      %get3A_891 = arith.index_cast %mul3A_890 : i32 to index
      %get3A_892 = tpu.vector_load %arg5[%get3A_891] {strides = array<i32>} : memref<1024xf32, #tpu.memory_space<vmem>>, vector<16xf32>,
      %mul3A_893 = arith.constant 8 : i32
      %mul3A_894 = arith.muli %select_n3A_721, %mul3A_893 : i32
      %add3A_895 = arith.constant 6 : i32
      %add3A_896 = arith.addi %mul3A_894, %add3A_895 : i32
      %mul3A_897 = arith.constant 16 : i32
      %mul3A_898 = arith.muli %add3A_896, %mul3A_897 : i32
      %get3A_899 = arith.index_cast %mul3A_898 : i32 to index
      %get3A_900 = tpu.vector_load %arg5[%get3A_899] {strides = array<i32>} : memref<1024xf32, #tpu.memory_space<vmem>>, vector<16xf32>,
      %mul3A_901 = arith.constant 8 : i32
      %mul3A_902 = arith.muli %select_n3A_721, %mul3A_901 : i32
      %add3A_903 = arith.constant 7 : i32
      %add3A_904 = arith.addi %mul3A_902, %add3A_903 : i32
      %mul3A_905 = arith.constant 16 : i32
      %mul3A_906 = arith.muli %add3A_904, %mul3A_905 : i32
      %get3A_907 = arith.index_cast %mul3A_906 : i32 to index
      %get3A_908 = tpu.vector_load %arg5[%get3A_907] {strides = array<i32>} : memref<1024xf32, #tpu.memory_space<vmem>>, vector<16xf32>,
      %scan3A_909 = arith.constant 0 : i32
      %scan3A_910 = arith.constant 0 : i32
      %scan3A_911 = arith.constant 256 : i32
      %scan3A_912 = arith.addi %scan3A_910, %scan3A_911 : i32
      %scan3A_913 = arith.constant 1 : i32
      scf.for %scan3A_1014 = %scan3A_910 to %scan3A_912 step %scan3A_913  : i32 {
        %jit3A_1015 = arith.constant 256 : i32
        %div3A_1016 = arith.divsi %scan3A_1014, %jit3A_1015 : i32
        %sign3A_1017 = arith.constant 0 : i32
        %sign3A_1018 = arith.cmpi sgt, %scan3A_1014, %sign3A_1017 : i32
        %sign3A_1019 = arith.extui %sign3A_1018 : i1 to i32
        %sign3A_1020 = arith.constant 0 : i32
        %sign3A_1021 = arith.cmpi slt, %scan3A_1014, %sign3A_1020 : i32
        %sign3A_1022 = arith.extui %sign3A_1021 : i1 to i32
        %sign3A_1023 = arith.subi %sign3A_1019, %sign3A_1022 : i32
        %sign3A_1024 = arith.constant 0 : i32
        %sign3A_1025 = arith.cmpi sgt, %jit3A_1015, %sign3A_1024 : i32
        %sign3A_1026 = arith.extui %sign3A_1025 : i1 to i32
        %sign3A_1027 = arith.constant 0 : i32
        %sign3A_1028 = arith.cmpi slt, %jit3A_1015, %sign3A_1027 : i32
        %sign3A_1029 = arith.extui %sign3A_1028 : i1 to i32
        %sign3A_1030 = arith.subi %sign3A_1026, %sign3A_1029 : i32
        %ne3A_1031 = arith.cmpi ne, %sign3A_1023, %sign3A_1030 : i32
        %rem3A_1032 = arith.remsi %scan3A_1014, %jit3A_1015 : i32
        %ne3A_1033 = arith.constant 0 : i32
        %ne3A_1034 = arith.cmpi ne, %rem3A_1032, %ne3A_1033 : i32
        %and3A_1035 = arith.andi %ne3A_1031, %ne3A_1034 : i1
        %sub3A_1036 = arith.constant 1 : i32
        %sub3A_1037 = arith.subi %div3A_1016, %sub3A_1036 : i32
        %select_n3A_1038 = arith.select %and3A_1035, %sub3A_1037, %div3A_1016 : i32
        %jit3A_1039 = arith.constant 256 : i32
        %eq3A_1040 = arith.constant 0 : i32
        %eq3A_1041 = arith.cmpi eq, %jit3A_1039, %eq3A_1040 : i32
        %jit3A_1042 = arith.constant 1 : i32
        %select_n3A_1043 = arith.select %eq3A_1041, %jit3A_1042, %jit3A_1039 : i32
        %rem3A_1044 = arith.remsi %scan3A_1014, %select_n3A_1043 : i32
        %ne3A_1045 = arith.constant 0 : i32
        %ne3A_1046 = arith.cmpi ne, %rem3A_1044, %ne3A_1045 : i32
        %lt3A_1047 = arith.constant 0 : i32
        %lt3A_1048 = arith.cmpi slt, %rem3A_1044, %lt3A_1047 : i32
        %lt3A_1049 = arith.constant 0 : i32
        %lt3A_1050 = arith.cmpi slt, %select_n3A_1043, %lt3A_1049 : i32
        %ne3A_1051 = arith.xori %lt3A_1048, %lt3A_1050 : i1
        %and3A_1052 = arith.andi %ne3A_1051, %ne3A_1046 : i1
        %add3A_1053 = arith.addi %rem3A_1044, %select_n3A_1043 : i32
        %select_n3A_1054 = arith.select %and3A_1052, %add3A_1053, %rem3A_1044 : i32
        %mul3A_1055 = arith.constant 16 : i32
        %mul3A_1056 = arith.muli %select_n3A_1054, %mul3A_1055 : i32
        %get3A_1057 = arith.constant 1 : i32
        %get3A_1058 = arith.index_cast %get3A_1057 : i32 to index
        %get3A_1059 = arith.index_cast %select_n3A_1038 : i32 to index
        %get3A_1060 = arith.index_cast %mul3A_1056 : i32 to index
        %get3A_1061 = tpu.vector_load %arg6[%get3A_1058, %get3A_1059, %get3A_1060] {strides = array<i32>} : memref<2x1x4096xi32, #tpu.memory_space<vmem>>, vector<16xi32>,
        %reshape3A = vector.shape_cast %get3A_1061 : vector<16xi32> to vector<16x1xi32>
        %gather3A = vector.shape_cast %reshape3A : vector<16x1xi32> to vector<16xi32>
        %gather3A_1062 = tpu.dynamic_gather %get3A_852[%gather3A] in [0] : vector<16xf32>, vector<16xi32> -> vector<16xf32>
        %mul3A_1063 = arith.constant 16 : i32
        %mul3A_1064 = arith.muli %select_n3A_1054, %mul3A_1063 : i32
        %swap3A = arith.constant 1 : i32
        %swap3A_1065 = arith.constant 0 : i32
        %swap3A_1066 = arith.index_cast %swap3A : i32 to index
        %swap3A_1067 = arith.index_cast %select_n3A_1038 : i32 to index
        %swap3A_1068 = arith.index_cast %swap3A_1065 : i32 to index
        %swap3A_1069 = arith.index_cast %mul3A_1064 : i32 to index
        %swap3A_1070 = tpu.vector_load %arg7[%swap3A_1066, %swap3A_1067, %swap3A_1068, %swap3A_1069] {strides = array<i32>} : memref<2x1x8x4096xf32, #tpu.memory_space<vmem>>, vector<16xf32>,
        tpu.vector_store %arg7[%swap3A_1066, %swap3A_1067, %swap3A_1068, %swap3A_1069], %gather3A_1062 {strides = array<i32>} : memref<2x1x8x4096xf32, #tpu.memory_space<vmem>>, vector<16xf32>,
        %reshape3A_1071 = vector.shape_cast %get3A_1061 : vector<16xi32> to vector<16x1xi32>
        %gather3A_1072 = vector.shape_cast %reshape3A_1071 : vector<16x1xi32> to vector<16xi32>
        %gather3A_1073 = tpu.dynamic_gather %get3A_860[%gather3A_1072] in [0] : vector<16xf32>, vector<16xi32> -> vector<16xf32>
        %mul3A_1074 = arith.constant 16 : i32
        %mul3A_1075 = arith.muli %select_n3A_1054, %mul3A_1074 : i32
        %swap3A_1076 = arith.constant 1 : i32
        %swap3A_1077 = arith.constant 1 : i32
        %swap3A_1078 = arith.index_cast %swap3A_1076 : i32 to index
        %swap3A_1079 = arith.index_cast %select_n3A_1038 : i32 to index
        %swap3A_1080 = arith.index_cast %swap3A_1077 : i32 to index
        %swap3A_1081 = arith.index_cast %mul3A_1075 : i32 to index
        %swap3A_1082 = tpu.vector_load %arg7[%swap3A_1078, %swap3A_1079, %swap3A_1080, %swap3A_1081] {strides = array<i32>} : memref<2x1x8x4096xf32, #tpu.memory_space<vmem>>, vector<16xf32>,
        tpu.vector_store %arg7[%swap3A_1078, %swap3A_1079, %swap3A_1080, %swap3A_1081], %gather3A_1073 {strides = array<i32>} : memref<2x1x8x4096xf32, #tpu.memory_space<vmem>>, vector<16xf32>,
        %reshape3A_1083 = vector.shape_cast %get3A_1061 : vector<16xi32> to vector<16x1xi32>
        %gather3A_1084 = vector.shape_cast %reshape3A_1083 : vector<16x1xi32> to vector<16xi32>
        %gather3A_1085 = tpu.dynamic_gather %get3A_868[%gather3A_1084] in [0] : vector<16xf32>, vector<16xi32> -> vector<16xf32>
        %mul3A_1086 = arith.constant 16 : i32
        %mul3A_1087 = arith.muli %select_n3A_1054, %mul3A_1086 : i32
        %swap3A_1088 = arith.constant 1 : i32
        %swap3A_1089 = arith.constant 2 : i32
        %swap3A_1090 = arith.index_cast %swap3A_1088 : i32 to index
        %swap3A_1091 = arith.index_cast %select_n3A_1038 : i32 to index
        %swap3A_1092 = arith.index_cast %swap3A_1089 : i32 to index
        %swap3A_1093 = arith.index_cast %mul3A_1087 : i32 to index
        %swap3A_1094 = tpu.vector_load %arg7[%swap3A_1090, %swap3A_1091, %swap3A_1092, %swap3A_1093] {strides = array<i32>} : memref<2x1x8x4096xf32, #tpu.memory_space<vmem>>, vector<16xf32>,
        tpu.vector_store %arg7[%swap3A_1090, %swap3A_1091, %swap3A_1092, %swap3A_1093], %gather3A_1085 {strides = array<i32>} : memref<2x1x8x4096xf32, #tpu.memory_space<vmem>>, vector<16xf32>,
        %reshape3A_1095 = vector.shape_cast %get3A_1061 : vector<16xi32> to vector<16x1xi32>
        %gather3A_1096 = vector.shape_cast %reshape3A_1095 : vector<16x1xi32> to vector<16xi32>
        %gather3A_1097 = tpu.dynamic_gather %get3A_876[%gather3A_1096] in [0] : vector<16xf32>, vector<16xi32> -> vector<16xf32>
        %mul3A_1098 = arith.constant 16 : i32
        %mul3A_1099 = arith.muli %select_n3A_1054, %mul3A_1098 : i32
        %swap3A_1100 = arith.constant 1 : i32
        %swap3A_1101 = arith.constant 3 : i32
        %swap3A_1102 = arith.index_cast %swap3A_1100 : i32 to index
        %swap3A_1103 = arith.index_cast %select_n3A_1038 : i32 to index
        %swap3A_1104 = arith.index_cast %swap3A_1101 : i32 to index
        %swap3A_1105 = arith.index_cast %mul3A_1099 : i32 to index
        %swap3A_1106 = tpu.vector_load %arg7[%swap3A_1102, %swap3A_1103, %swap3A_1104, %swap3A_1105] {strides = array<i32>} : memref<2x1x8x4096xf32, #tpu.memory_space<vmem>>, vector<16xf32>,
        tpu.vector_store %arg7[%swap3A_1102, %swap3A_1103, %swap3A_1104, %swap3A_1105], %gather3A_1097 {strides = array<i32>} : memref<2x1x8x4096xf32, #tpu.memory_space<vmem>>, vector<16xf32>,
        %reshape3A_1107 = vector.shape_cast %get3A_1061 : vector<16xi32> to vector<16x1xi32>
        %gather3A_1108 = vector.shape_cast %reshape3A_1107 : vector<16x1xi32> to vector<16xi32>
        %gather3A_1109 = tpu.dynamic_gather %get3A_884[%gather3A_1108] in [0] : vector<16xf32>, vector<16xi32> -> vector<16xf32>
        %mul3A_1110 = arith.constant 16 : i32
        %mul3A_1111 = arith.muli %select_n3A_1054, %mul3A_1110 : i32
        %swap3A_1112 = arith.constant 1 : i32
        %swap3A_1113 = arith.constant 4 : i32
        %swap3A_1114 = arith.index_cast %swap3A_1112 : i32 to index
        %swap3A_1115 = arith.index_cast %select_n3A_1038 : i32 to index
        %swap3A_1116 = arith.index_cast %swap3A_1113 : i32 to index
        %swap3A_1117 = arith.index_cast %mul3A_1111 : i32 to index
        %swap3A_1118 = tpu.vector_load %arg7[%swap3A_1114, %swap3A_1115, %swap3A_1116, %swap3A_1117] {strides = array<i32>} : memref<2x1x8x4096xf32, #tpu.memory_space<vmem>>, vector<16xf32>,
        tpu.vector_store %arg7[%swap3A_1114, %swap3A_1115, %swap3A_1116, %swap3A_1117], %gather3A_1109 {strides = array<i32>} : memref<2x1x8x4096xf32, #tpu.memory_space<vmem>>, vector<16xf32>,
        %reshape3A_1119 = vector.shape_cast %get3A_1061 : vector<16xi32> to vector<16x1xi32>
        %gather3A_1120 = vector.shape_cast %reshape3A_1119 : vector<16x1xi32> to vector<16xi32>
        %gather3A_1121 = tpu.dynamic_gather %get3A_892[%gather3A_1120] in [0] : vector<16xf32>, vector<16xi32> -> vector<16xf32>
        %mul3A_1122 = arith.constant 16 : i32
        %mul3A_1123 = arith.muli %select_n3A_1054, %mul3A_1122 : i32
        %swap3A_1124 = arith.constant 1 : i32
        %swap3A_1125 = arith.constant 5 : i32
        %swap3A_1126 = arith.index_cast %swap3A_1124 : i32 to index
        %swap3A_1127 = arith.index_cast %select_n3A_1038 : i32 to index
        %swap3A_1128 = arith.index_cast %swap3A_1125 : i32 to index
        %swap3A_1129 = arith.index_cast %mul3A_1123 : i32 to index
        %swap3A_1130 = tpu.vector_load %arg7[%swap3A_1126, %swap3A_1127, %swap3A_1128, %swap3A_1129] {strides = array<i32>} : memref<2x1x8x4096xf32, #tpu.memory_space<vmem>>, vector<16xf32>,
        tpu.vector_store %arg7[%swap3A_1126, %swap3A_1127, %swap3A_1128, %swap3A_1129], %gather3A_1121 {strides = array<i32>} : memref<2x1x8x4096xf32, #tpu.memory_space<vmem>>, vector<16xf32>,
        %reshape3A_1131 = vector.shape_cast %get3A_1061 : vector<16xi32> to vector<16x1xi32>
        %gather3A_1132 = vector.shape_cast %reshape3A_1131 : vector<16x1xi32> to vector<16xi32>
        %gather3A_1133 = tpu.dynamic_gather %get3A_900[%gather3A_1132] in [0] : vector<16xf32>, vector<16xi32> -> vector<16xf32>
        %mul3A_1134 = arith.constant 16 : i32
        %mul3A_1135 = arith.muli %select_n3A_1054, %mul3A_1134 : i32
        %swap3A_1136 = arith.constant 1 : i32
        %swap3A_1137 = arith.constant 6 : i32
        %swap3A_1138 = arith.index_cast %swap3A_1136 : i32 to index
        %swap3A_1139 = arith.index_cast %select_n3A_1038 : i32 to index
        %swap3A_1140 = arith.index_cast %swap3A_1137 : i32 to index
        %swap3A_1141 = arith.index_cast %mul3A_1135 : i32 to index
        %swap3A_1142 = tpu.vector_load %arg7[%swap3A_1138, %swap3A_1139, %swap3A_1140, %swap3A_1141] {strides = array<i32>} : memref<2x1x8x4096xf32, #tpu.memory_space<vmem>>, vector<16xf32>,
        tpu.vector_store %arg7[%swap3A_1138, %swap3A_1139, %swap3A_1140, %swap3A_1141], %gather3A_1133 {strides = array<i32>} : memref<2x1x8x4096xf32, #tpu.memory_space<vmem>>, vector<16xf32>,
        %reshape3A_1143 = vector.shape_cast %get3A_1061 : vector<16xi32> to vector<16x1xi32>
        %gather3A_1144 = vector.shape_cast %reshape3A_1143 : vector<16x1xi32> to vector<16xi32>
        %gather3A_1145 = tpu.dynamic_gather %get3A_908[%gather3A_1144] in [0] : vector<16xf32>, vector<16xi32> -> vector<16xf32>
        %mul3A_1146 = arith.constant 16 : i32
        %mul3A_1147 = arith.muli %select_n3A_1054, %mul3A_1146 : i32
        %swap3A_1148 = arith.constant 1 : i32
        %swap3A_1149 = arith.constant 7 : i32
        %swap3A_1150 = arith.index_cast %swap3A_1148 : i32 to index
        %swap3A_1151 = arith.index_cast %select_n3A_1038 : i32 to index
        %swap3A_1152 = arith.index_cast %swap3A_1149 : i32 to index
        %swap3A_1153 = arith.index_cast %mul3A_1147 : i32 to index
        %swap3A_1154 = tpu.vector_load %arg7[%swap3A_1150, %swap3A_1151, %swap3A_1152, %swap3A_1153] {strides = array<i32>} : memref<2x1x8x4096xf32, #tpu.memory_space<vmem>>, vector<16xf32>,
        tpu.vector_store %arg7[%swap3A_1150, %swap3A_1151, %swap3A_1152, %swap3A_1153], %gather3A_1145 {strides = array<i32>} : memref<2x1x8x4096xf32, #tpu.memory_space<vmem>>, vector<16xf32>,
      }
      %scan3A_914 = arith.constant 256 : i32
      %jit3A_915 = arith.constant 8 : i32
      %div3A_916 = arith.divsi %add3A_657, %jit3A_915 : i32
      %sign3A_917 = arith.constant 0 : i32
      %sign3A_918 = arith.cmpi sgt, %add3A_657, %sign3A_917 : i32
      %sign3A_919 = arith.extui %sign3A_918 : i1 to i32
      %sign3A_920 = arith.constant 0 : i32
      %sign3A_921 = arith.cmpi slt, %add3A_657, %sign3A_920 : i32
      %sign3A_922 = arith.extui %sign3A_921 : i1 to i32
      %sign3A_923 = arith.subi %sign3A_919, %sign3A_922 : i32
      %sign3A_924 = arith.constant 0 : i32
      %sign3A_925 = arith.cmpi sgt, %jit3A_915, %sign3A_924 : i32
      %sign3A_926 = arith.extui %sign3A_925 : i1 to i32
      %sign3A_927 = arith.constant 0 : i32
      %sign3A_928 = arith.cmpi slt, %jit3A_915, %sign3A_927 : i32
      %sign3A_929 = arith.extui %sign3A_928 : i1 to i32
      %sign3A_930 = arith.subi %sign3A_926, %sign3A_929 : i32
      %ne3A_931 = arith.cmpi ne, %sign3A_923, %sign3A_930 : i32
      %rem3A_932 = arith.remsi %add3A_657, %jit3A_915 : i32
      %ne3A_933 = arith.constant 0 : i32
      %ne3A_934 = arith.cmpi ne, %rem3A_932, %ne3A_933 : i32
      %and3A_935 = arith.andi %ne3A_931, %ne3A_934 : i1
      %sub3A_936 = arith.constant 1 : i32
      %sub3A_937 = arith.subi %div3A_916, %sub3A_936 : i32
      %select_n3A_938 = arith.select %and3A_935, %sub3A_937, %div3A_916 : i32
      %jit3A_939 = arith.constant 8 : i32
      %eq3A_940 = arith.constant 0 : i32
      %eq3A_941 = arith.cmpi eq, %jit3A_939, %eq3A_940 : i32
      %jit3A_942 = arith.constant 1 : i32
      %select_n3A_943 = arith.select %eq3A_941, %jit3A_942, %jit3A_939 : i32
      %rem3A_944 = arith.remsi %add3A_657, %select_n3A_943 : i32
      %ne3A_945 = arith.constant 0 : i32
      %ne3A_946 = arith.cmpi ne, %rem3A_944, %ne3A_945 : i32
      %lt3A_947 = arith.constant 0 : i32
      %lt3A_948 = arith.cmpi slt, %rem3A_944, %lt3A_947 : i32
      %lt3A_949 = arith.constant 0 : i32
      %lt3A_950 = arith.cmpi slt, %select_n3A_943, %lt3A_949 : i32
      %ne3A_951 = arith.xori %lt3A_948, %lt3A_950 : i1
      %and3A_952 = arith.andi %ne3A_951, %ne3A_946 : i1
      %add3A_953 = arith.addi %rem3A_944, %select_n3A_943 : i32
      %select_n3A_954 = arith.select %and3A_952, %add3A_953, %rem3A_944 : i32
      %jit3A_955 = arith.constant 1 : i32
      %div3A_956 = arith.divsi %select_n3A_954, %jit3A_955 : i32
      %sign3A_957 = arith.constant 0 : i32
      %sign3A_958 = arith.cmpi sgt, %select_n3A_954, %sign3A_957 : i32
      %sign3A_959 = arith.extui %sign3A_958 : i1 to i32
      %sign3A_960 = arith.constant 0 : i32
      %sign3A_961 = arith.cmpi slt, %select_n3A_954, %sign3A_960 : i32
      %sign3A_962 = arith.extui %sign3A_961 : i1 to i32
      %sign3A_963 = arith.subi %sign3A_959, %sign3A_962 : i32
      %sign3A_964 = arith.constant 0 : i32
      %sign3A_965 = arith.cmpi sgt, %jit3A_955, %sign3A_964 : i32
      %sign3A_966 = arith.extui %sign3A_965 : i1 to i32
      %sign3A_967 = arith.constant 0 : i32
      %sign3A_968 = arith.cmpi slt, %jit3A_955, %sign3A_967 : i32
      %sign3A_969 = arith.extui %sign3A_968 : i1 to i32
      %sign3A_970 = arith.subi %sign3A_966, %sign3A_969 : i32
      %ne3A_971 = arith.cmpi ne, %sign3A_963, %sign3A_970 : i32
      %rem3A_972 = arith.remsi %select_n3A_954, %jit3A_955 : i32
      %ne3A_973 = arith.constant 0 : i32
      %ne3A_974 = arith.cmpi ne, %rem3A_972, %ne3A_973 : i32
      %and3A_975 = arith.andi %ne3A_971, %ne3A_974 : i1
      %sub3A_976 = arith.constant 1 : i32
      %sub3A_977 = arith.subi %div3A_956, %sub3A_976 : i32
      %select_n3A_978 = arith.select %and3A_975, %sub3A_977, %div3A_956 : i32
      %jit3A_979 = arith.constant 1 : i32
      %eq3A_980 = arith.constant 0 : i32
      %eq3A_981 = arith.cmpi eq, %jit3A_979, %eq3A_980 : i32
      %jit3A_982 = arith.constant 1 : i32
      %select_n3A_983 = arith.select %eq3A_981, %jit3A_982, %jit3A_979 : i32
      %rem3A_984 = arith.remsi %select_n3A_954, %select_n3A_983 : i32
      %ne3A_985 = arith.constant 0 : i32
      %ne3A_986 = arith.cmpi ne, %rem3A_984, %ne3A_985 : i32
      %lt3A_987 = arith.constant 0 : i32
      %lt3A_988 = arith.cmpi slt, %rem3A_984, %lt3A_987 : i32
      %lt3A_989 = arith.constant 0 : i32
      %lt3A_990 = arith.cmpi slt, %select_n3A_983, %lt3A_989 : i32
      %ne3A_991 = arith.xori %lt3A_988, %lt3A_990 : i1
      %and3A_992 = arith.andi %ne3A_991, %ne3A_986 : i1
      %add3A_993 = arith.addi %rem3A_984, %select_n3A_983 : i32
      %select_n3A_994 = arith.select %and3A_992, %add3A_993, %rem3A_984 : i32
      %mul3A_995 = arith.constant 1 : i32
      %mul3A_996 = arith.muli %select_n3A_938, %mul3A_995 : i32
      %mul3A_997 = arith.constant 8 : i32
      %mul3A_998 = arith.muli %select_n3A_978, %mul3A_997 : i32
      %mul3A_999 = arith.constant 4096 : i32
      %mul3A_1000 = arith.muli %select_n3A_994, %mul3A_999 : i32
      %dma_start3A_1001 = arith.constant 1 : i32
      %dma_start3A_1002 = arith.constant 0 : i32
      %dma_start3A_1003 = arith.constant 0 : i32
      %dma_start3A_1004 = arith.constant 0 : i32
      %dma_start3A_1005 = tpu.memref_slice %arg7[%dma_start3A_1001, %dma_start3A_1002, %dma_start3A_1003, %dma_start3A_1004] : memref<2x1x8x4096xf32, #tpu.memory_space<vmem>> -> memref<1x1x8x4096xf32, #tpu.memory_space<vmem>>
      %dma_start3A_1006 = tpu.memref_squeeze %dma_start3A_1005 : memref<1x1x8x4096xf32, #tpu.memory_space<vmem>> -> memref<1x8x4096xf32, #tpu.memory_space<vmem>>
      %dma_start3A_1007 = tpu.memref_slice %arg4[%mul3A_996, %mul3A_998, %mul3A_1000] : memref<200x64x4096xf32, #tpu.memory_space<hbm>> -> memref<1x8x4096xf32, #tpu.memory_space<hbm>>
      %dma_start3A_1008 = tpu.memref_slice %arg4[%mul3A_996, %mul3A_998, %mul3A_1000] : memref<200x64x4096xf32, #tpu.memory_space<hbm>> -> memref<1x8x4096xf32, #tpu.memory_space<hbm>>
      %dma_start3A_1009 = arith.constant 0 : i32
      %dma_start3A_1010 = arith.constant 0 : i32
      %dma_start3A_1011 = arith.constant 0 : i32
      %dma_start3A_1012 = tpu.memref_slice %arg7[%dma_start3A_1001, %dma_start3A_1009, %dma_start3A_1010, %dma_start3A_1011] : memref<2x1x8x4096xf32, #tpu.memory_space<vmem>> -> memref<1x1x8x4096xf32, #tpu.memory_space<vmem>>
      %dma_start3A_1013 = tpu.memref_squeeze %dma_start3A_1012 : memref<1x1x8x4096xf32, #tpu.memory_space<vmem>> -> memref<1x8x4096xf32, #tpu.memory_space<vmem>>
      tpu.enqueue_dma source(%dma_start3A_1013 : memref<1x8x4096xf32, #tpu.memory_space<vmem>>) target(%dma_start3A_1008 : memref<1x8x4096xf32, #tpu.memory_space<hbm>>) target_semaphore(%arg11 : memref<!tpu.dma_semaphore, #tpu.memory_space<semaphore_mem>>)
    }
    %scan3A_89 = arith.constant 25 : i32
    %add3A_90 = arith.constant 1536 : i32
    %add3A_91 = arith.addi %add3A, %add3A_90 : i32
    %jit3A_92 = arith.constant 8 : i32
    %div3A_93 = arith.divsi %add3A_91, %jit3A_92 : i32
    %sign3A_94 = arith.constant 0 : i32
    %sign3A_95 = arith.cmpi sgt, %add3A_91, %sign3A_94 : i32
    %sign3A_96 = arith.extui %sign3A_95 : i1 to i32
    %sign3A_97 = arith.constant 0 : i32
    %sign3A_98 = arith.cmpi slt, %add3A_91, %sign3A_97 : i32
    %sign3A_99 = arith.extui %sign3A_98 : i1 to i32
    %sign3A_100 = arith.subi %sign3A_96, %sign3A_99 : i32
    %sign3A_101 = arith.constant 0 : i32
    %sign3A_102 = arith.cmpi sgt, %jit3A_92, %sign3A_101 : i32
    %sign3A_103 = arith.extui %sign3A_102 : i1 to i32
    %sign3A_104 = arith.constant 0 : i32
    %sign3A_105 = arith.cmpi slt, %jit3A_92, %sign3A_104 : i32
    %sign3A_106 = arith.extui %sign3A_105 : i1 to i32
    %sign3A_107 = arith.subi %sign3A_103, %sign3A_106 : i32
    %ne3A_108 = arith.cmpi ne, %sign3A_100, %sign3A_107 : i32
    %rem3A_109 = arith.remsi %add3A_91, %jit3A_92 : i32
    %ne3A_110 = arith.constant 0 : i32
    %ne3A_111 = arith.cmpi ne, %rem3A_109, %ne3A_110 : i32
    %and3A_112 = arith.andi %ne3A_108, %ne3A_111 : i1
    %sub3A_113 = arith.constant 1 : i32
    %sub3A_114 = arith.subi %div3A_93, %sub3A_113 : i32
    %select_n3A_115 = arith.select %and3A_112, %sub3A_114, %div3A_93 : i32
    %jit3A_116 = arith.constant 8 : i32
    %eq3A_117 = arith.constant 0 : i32
    %eq3A_118 = arith.cmpi eq, %jit3A_116, %eq3A_117 : i32
    %jit3A_119 = arith.constant 1 : i32
    %select_n3A_120 = arith.select %eq3A_118, %jit3A_119, %jit3A_116 : i32
    %rem3A_121 = arith.remsi %add3A_91, %select_n3A_120 : i32
    %ne3A_122 = arith.constant 0 : i32
    %ne3A_123 = arith.cmpi ne, %rem3A_121, %ne3A_122 : i32
    %lt3A_124 = arith.constant 0 : i32
    %lt3A_125 = arith.cmpi slt, %rem3A_121, %lt3A_124 : i32
    %lt3A_126 = arith.constant 0 : i32
    %lt3A_127 = arith.cmpi slt, %select_n3A_120, %lt3A_126 : i32
    %ne3A_128 = arith.xori %lt3A_125, %lt3A_127 : i1
    %and3A_129 = arith.andi %ne3A_128, %ne3A_123 : i1
    %add3A_130 = arith.addi %rem3A_121, %select_n3A_120 : i32
    %select_n3A_131 = arith.select %and3A_129, %add3A_130, %rem3A_121 : i32
    %jit3A_132 = arith.constant 1 : i32
    %div3A_133 = arith.divsi %select_n3A_131, %jit3A_132 : i32
    %sign3A_134 = arith.constant 0 : i32
    %sign3A_135 = arith.cmpi sgt, %select_n3A_131, %sign3A_134 : i32
    %sign3A_136 = arith.extui %sign3A_135 : i1 to i32
    %sign3A_137 = arith.constant 0 : i32
    %sign3A_138 = arith.cmpi slt, %select_n3A_131, %sign3A_137 : i32
    %sign3A_139 = arith.extui %sign3A_138 : i1 to i32
    %sign3A_140 = arith.subi %sign3A_136, %sign3A_139 : i32
    %sign3A_141 = arith.constant 0 : i32
    %sign3A_142 = arith.cmpi sgt, %jit3A_132, %sign3A_141 : i32
    %sign3A_143 = arith.extui %sign3A_142 : i1 to i32
    %sign3A_144 = arith.constant 0 : i32
    %sign3A_145 = arith.cmpi slt, %jit3A_132, %sign3A_144 : i32
    %sign3A_146 = arith.extui %sign3A_145 : i1 to i32
    %sign3A_147 = arith.subi %sign3A_143, %sign3A_146 : i32
    %ne3A_148 = arith.cmpi ne, %sign3A_140, %sign3A_147 : i32
    %rem3A_149 = arith.remsi %select_n3A_131, %jit3A_132 : i32
    %ne3A_150 = arith.constant 0 : i32
    %ne3A_151 = arith.cmpi ne, %rem3A_149, %ne3A_150 : i32
    %and3A_152 = arith.andi %ne3A_148, %ne3A_151 : i1
    %sub3A_153 = arith.constant 1 : i32
    %sub3A_154 = arith.subi %div3A_133, %sub3A_153 : i32
    %select_n3A_155 = arith.select %and3A_152, %sub3A_154, %div3A_133 : i32
    %jit3A_156 = arith.constant 1 : i32
    %eq3A_157 = arith.constant 0 : i32
    %eq3A_158 = arith.cmpi eq, %jit3A_156, %eq3A_157 : i32
    %jit3A_159 = arith.constant 1 : i32
    %select_n3A_160 = arith.select %eq3A_158, %jit3A_159, %jit3A_156 : i32
    %rem3A_161 = arith.remsi %select_n3A_131, %select_n3A_160 : i32
    %ne3A_162 = arith.constant 0 : i32
    %ne3A_163 = arith.cmpi ne, %rem3A_161, %ne3A_162 : i32
    %lt3A_164 = arith.constant 0 : i32
    %lt3A_165 = arith.cmpi slt, %rem3A_161, %lt3A_164 : i32
    %lt3A_166 = arith.constant 0 : i32
    %lt3A_167 = arith.cmpi slt, %select_n3A_160, %lt3A_166 : i32
    %ne3A_168 = arith.xori %lt3A_165, %lt3A_167 : i1
    %and3A_169 = arith.andi %ne3A_168, %ne3A_163 : i1
    %add3A_170 = arith.addi %rem3A_161, %select_n3A_160 : i32
    %select_n3A_171 = arith.select %and3A_169, %add3A_170, %rem3A_161 : i32
    %mul3A_172 = arith.constant 1 : i32
    %mul3A_173 = arith.muli %select_n3A_115, %mul3A_172 : i32
    %mul3A_174 = arith.constant 8 : i32
    %mul3A_175 = arith.muli %select_n3A_155, %mul3A_174 : i32
    %mul3A_176 = arith.constant 4096 : i32
    %mul3A_177 = arith.muli %select_n3A_171, %mul3A_176 : i32
    %dma_wait3A = arith.constant 0 : i32
    %dma_wait3A_178 = arith.constant 0 : i32
    %dma_wait3A_179 = arith.constant 0 : i32
    %dma_wait3A_180 = arith.constant 0 : i32
    %dma_wait3A_181 = tpu.memref_slice %arg7[%dma_wait3A, %dma_wait3A_178, %dma_wait3A_179, %dma_wait3A_180] : memref<2x1x8x4096xf32, #tpu.memory_space<vmem>> -> memref<1x1x8x4096xf32, #tpu.memory_space<vmem>>
    %dma_wait3A_182 = tpu.memref_squeeze %dma_wait3A_181 : memref<1x1x8x4096xf32, #tpu.memory_space<vmem>> -> memref<1x8x4096xf32, #tpu.memory_space<vmem>>
    %dma_wait3A_183 = tpu.memref_slice %arg4[%mul3A_173, %mul3A_175, %mul3A_177] : memref<200x64x4096xf32, #tpu.memory_space<hbm>> -> memref<1x8x4096xf32, #tpu.memory_space<hbm>>
    %dma_wait3A_184 = tpu.memref_slice %arg4[%mul3A_173, %mul3A_175, %mul3A_177] : memref<200x64x4096xf32, #tpu.memory_space<hbm>> -> memref<1x8x4096xf32, #tpu.memory_space<hbm>>
    %dma_wait3A_185 = arith.constant 0 : i32
    %dma_wait3A_186 = arith.constant 0 : i32
    %dma_wait3A_187 = arith.constant 0 : i32
    %dma_wait3A_188 = tpu.memref_slice %arg7[%dma_wait3A, %dma_wait3A_185, %dma_wait3A_186, %dma_wait3A_187] : memref<2x1x8x4096xf32, #tpu.memory_space<vmem>> -> memref<1x1x8x4096xf32, #tpu.memory_space<vmem>>
    %dma_wait3A_189 = tpu.memref_squeeze %dma_wait3A_188 : memref<1x1x8x4096xf32, #tpu.memory_space<vmem>> -> memref<1x8x4096xf32, #tpu.memory_space<vmem>>
    tpu.wait_dma2 semaphore(%arg10 : memref<!tpu.dma_semaphore, #tpu.memory_space<semaphore_mem>>) src(%dma_wait3A_189 : memref<1x8x4096xf32, #tpu.memory_space<vmem>>) dst(%dma_wait3A_184 : memref<1x8x4096xf32, #tpu.memory_space<hbm>>)
    %add3A_190 = arith.constant 1568 : i32
    %add3A_191 = arith.addi %add3A, %add3A_190 : i32
    %jit3A_192 = arith.constant 8 : i32
    %div3A_193 = arith.divsi %add3A_191, %jit3A_192 : i32
    %sign3A_194 = arith.constant 0 : i32
    %sign3A_195 = arith.cmpi sgt, %add3A_191, %sign3A_194 : i32
    %sign3A_196 = arith.extui %sign3A_195 : i1 to i32
    %sign3A_197 = arith.constant 0 : i32
    %sign3A_198 = arith.cmpi slt, %add3A_191, %sign3A_197 : i32
    %sign3A_199 = arith.extui %sign3A_198 : i1 to i32
    %sign3A_200 = arith.subi %sign3A_196, %sign3A_199 : i32
    %sign3A_201 = arith.constant 0 : i32
    %sign3A_202 = arith.cmpi sgt, %jit3A_192, %sign3A_201 : i32
    %sign3A_203 = arith.extui %sign3A_202 : i1 to i32
    %sign3A_204 = arith.constant 0 : i32
    %sign3A_205 = arith.cmpi slt, %jit3A_192, %sign3A_204 : i32
    %sign3A_206 = arith.extui %sign3A_205 : i1 to i32
    %sign3A_207 = arith.subi %sign3A_203, %sign3A_206 : i32
    %ne3A_208 = arith.cmpi ne, %sign3A_200, %sign3A_207 : i32
    %rem3A_209 = arith.remsi %add3A_191, %jit3A_192 : i32
    %ne3A_210 = arith.constant 0 : i32
    %ne3A_211 = arith.cmpi ne, %rem3A_209, %ne3A_210 : i32
    %and3A_212 = arith.andi %ne3A_208, %ne3A_211 : i1
    %sub3A_213 = arith.constant 1 : i32
    %sub3A_214 = arith.subi %div3A_193, %sub3A_213 : i32
    %select_n3A_215 = arith.select %and3A_212, %sub3A_214, %div3A_193 : i32
    %jit3A_216 = arith.constant 8 : i32
    %eq3A_217 = arith.constant 0 : i32
    %eq3A_218 = arith.cmpi eq, %jit3A_216, %eq3A_217 : i32
    %jit3A_219 = arith.constant 1 : i32
    %select_n3A_220 = arith.select %eq3A_218, %jit3A_219, %jit3A_216 : i32
    %rem3A_221 = arith.remsi %add3A_191, %select_n3A_220 : i32
    %ne3A_222 = arith.constant 0 : i32
    %ne3A_223 = arith.cmpi ne, %rem3A_221, %ne3A_222 : i32
    %lt3A_224 = arith.constant 0 : i32
    %lt3A_225 = arith.cmpi slt, %rem3A_221, %lt3A_224 : i32
    %lt3A_226 = arith.constant 0 : i32
    %lt3A_227 = arith.cmpi slt, %select_n3A_220, %lt3A_226 : i32
    %ne3A_228 = arith.xori %lt3A_225, %lt3A_227 : i1
    %and3A_229 = arith.andi %ne3A_228, %ne3A_223 : i1
    %add3A_230 = arith.addi %rem3A_221, %select_n3A_220 : i32
    %select_n3A_231 = arith.select %and3A_229, %add3A_230, %rem3A_221 : i32
    %jit3A_232 = arith.constant 1 : i32
    %div3A_233 = arith.divsi %select_n3A_231, %jit3A_232 : i32
    %sign3A_234 = arith.constant 0 : i32
    %sign3A_235 = arith.cmpi sgt, %select_n3A_231, %sign3A_234 : i32
    %sign3A_236 = arith.extui %sign3A_235 : i1 to i32
    %sign3A_237 = arith.constant 0 : i32
    %sign3A_238 = arith.cmpi slt, %select_n3A_231, %sign3A_237 : i32
    %sign3A_239 = arith.extui %sign3A_238 : i1 to i32
    %sign3A_240 = arith.subi %sign3A_236, %sign3A_239 : i32
    %sign3A_241 = arith.constant 0 : i32
    %sign3A_242 = arith.cmpi sgt, %jit3A_232, %sign3A_241 : i32
    %sign3A_243 = arith.extui %sign3A_242 : i1 to i32
    %sign3A_244 = arith.constant 0 : i32
    %sign3A_245 = arith.cmpi slt, %jit3A_232, %sign3A_244 : i32
    %sign3A_246 = arith.extui %sign3A_245 : i1 to i32
    %sign3A_247 = arith.subi %sign3A_243, %sign3A_246 : i32
    %ne3A_248 = arith.cmpi ne, %sign3A_240, %sign3A_247 : i32
    %rem3A_249 = arith.remsi %select_n3A_231, %jit3A_232 : i32
    %ne3A_250 = arith.constant 0 : i32
    %ne3A_251 = arith.cmpi ne, %rem3A_249, %ne3A_250 : i32
    %and3A_252 = arith.andi %ne3A_248, %ne3A_251 : i1
    %sub3A_253 = arith.constant 1 : i32
    %sub3A_254 = arith.subi %div3A_233, %sub3A_253 : i32
    %select_n3A_255 = arith.select %and3A_252, %sub3A_254, %div3A_233 : i32
    %jit3A_256 = arith.constant 1 : i32
    %eq3A_257 = arith.constant 0 : i32
    %eq3A_258 = arith.cmpi eq, %jit3A_256, %eq3A_257 : i32
    %jit3A_259 = arith.constant 1 : i32
    %select_n3A_260 = arith.select %eq3A_258, %jit3A_259, %jit3A_256 : i32
    %rem3A_261 = arith.remsi %select_n3A_231, %select_n3A_260 : i32
    %ne3A_262 = arith.constant 0 : i32
    %ne3A_263 = arith.cmpi ne, %rem3A_261, %ne3A_262 : i32
    %lt3A_264 = arith.constant 0 : i32
    %lt3A_265 = arith.cmpi slt, %rem3A_261, %lt3A_264 : i32
    %lt3A_266 = arith.constant 0 : i32
    %lt3A_267 = arith.cmpi slt, %select_n3A_260, %lt3A_266 : i32
    %ne3A_268 = arith.xori %lt3A_265, %lt3A_267 : i1
    %and3A_269 = arith.andi %ne3A_268, %ne3A_263 : i1
    %add3A_270 = arith.addi %rem3A_261, %select_n3A_260 : i32
    %select_n3A_271 = arith.select %and3A_269, %add3A_270, %rem3A_261 : i32
    %mul3A_272 = arith.constant 1 : i32
    %mul3A_273 = arith.muli %select_n3A_215, %mul3A_272 : i32
    %mul3A_274 = arith.constant 8 : i32
    %mul3A_275 = arith.muli %select_n3A_255, %mul3A_274 : i32
    %mul3A_276 = arith.constant 4096 : i32
    %mul3A_277 = arith.muli %select_n3A_271, %mul3A_276 : i32
    %dma_wait3A_278 = arith.constant 1 : i32
    %dma_wait3A_279 = arith.constant 0 : i32
    %dma_wait3A_280 = arith.constant 0 : i32
    %dma_wait3A_281 = arith.constant 0 : i32
    %dma_wait3A_282 = tpu.memref_slice %arg7[%dma_wait3A_278, %dma_wait3A_279, %dma_wait3A_280, %dma_wait3A_281] : memref<2x1x8x4096xf32, #tpu.memory_space<vmem>> -> memref<1x1x8x4096xf32, #tpu.memory_space<vmem>>
    %dma_wait3A_283 = tpu.memref_squeeze %dma_wait3A_282 : memref<1x1x8x4096xf32, #tpu.memory_space<vmem>> -> memref<1x8x4096xf32, #tpu.memory_space<vmem>>
    %dma_wait3A_284 = tpu.memref_slice %arg4[%mul3A_273, %mul3A_275, %mul3A_277] : memref<200x64x4096xf32, #tpu.memory_space<hbm>> -> memref<1x8x4096xf32, #tpu.memory_space<hbm>>
    %dma_wait3A_285 = tpu.memref_slice %arg4[%mul3A_273, %mul3A_275, %mul3A_277] : memref<200x64x4096xf32, #tpu.memory_space<hbm>> -> memref<1x8x4096xf32, #tpu.memory_space<hbm>>
    %dma_wait3A_286 = arith.constant 0 : i32
    %dma_wait3A_287 = arith.constant 0 : i32
    %dma_wait3A_288 = arith.constant 0 : i32
    %dma_wait3A_289 = tpu.memref_slice %arg7[%dma_wait3A_278, %dma_wait3A_286, %dma_wait3A_287, %dma_wait3A_288] : memref<2x1x8x4096xf32, #tpu.memory_space<vmem>> -> memref<1x1x8x4096xf32, #tpu.memory_space<vmem>>
    %dma_wait3A_290 = tpu.memref_squeeze %dma_wait3A_289 : memref<1x1x8x4096xf32, #tpu.memory_space<vmem>> -> memref<1x8x4096xf32, #tpu.memory_space<vmem>>
    tpu.wait_dma2 semaphore(%arg11 : memref<!tpu.dma_semaphore, #tpu.memory_space<semaphore_mem>>) src(%dma_wait3A_290 : memref<1x8x4096xf32, #tpu.memory_space<vmem>>) dst(%dma_wait3A_285 : memref<1x8x4096xf32, #tpu.memory_space<hbm>>)
    return
  }
}

</mosaic_0001>

<sc_bundles>
// kernel: kernel.3.cloned.1.call-start
scs
__scs_entry_jumppad:
0x0: {  	(pc) =	sbr.rel $0x88, $3  }
0x1: {  	(tag) =	ssettag $0x0;
	lr =	simm.s32 $0x1  }
0x2: {  	[smem:$0x3F9F] =	sst lr;
	_ =	strace $0xD0000000  }
0x3: {  	_ = 	snop  }
0x4: {  	_ = 	snop  }
0x5: {  	_ = 	snop  }
0x6: {  	_ = 	snop  }
0x7: {  	_ = 	snop  }
__scs_overlays_trampoline_lowered:
0x8: {  	[smem:$0x3FAE] =	sst s0  }
0x9: {  	[smem:$0x3FAF] =	sst s1  }
0xa: {  	[smem:$0x3FB0] =	sst s2  }
0xb: {  	[smem:$0x3FB1] =	sst s3  }
0xc: {  	[smem:$0x3FB2] =	sst s4  }
0xd: {  	[smem:$0x3FB3] =	sst s5  }
0xe: {  	[smem:$0x3FB4] =	sst s6  }
0xf: {  	[smem:$0x3FB5] =	sst s7  }
0x10: {  	[smem:$0x3FB6] =	sst s8  }
0x11: {  	[smem:$0x3FB7] =	sst s9;
	s0 =	simm.s32 @!p0 $0x0  }
0x12: {  	s1 =	sld [smem:$0x3F9D];
	s0 =	simm.s32 @p0 $0x1  }
0x13: {  	[smem:$0x3FB8] =	sst s0;
	s0 =	simm.s32 @!p1 $0x0  }
0x14: {  	s2 =	sld [smem:$0x3F9C];
	s0 =	simm.s32 @p1 $0x1  }
0x15: {  	[smem:$0x3FB9] =	sst s0;
	s0 =	simm.s32 @!p2 $0x0  }
0x16: {  	s3 =	sld [smem:$0x3FDB];
	s0 =	simm.s32 @p2 $0x1  }
0x17: {  	s4 =	simm.s32 $0x1BF5;
	[smem:$0x3FBB] =	sst s0  }
0x18: {  	s0 =	sld [smem:$0x3F9E];
	_ =	swait.ge [sflag:s4], $0x0  }
0x19: {  	s7 =	sld [smem:$0x3F9F]  }
0x1a: {  	s8 =	sadd.s32 $0xFFFFE003, lr  }
0x1b: {  	s9 =	sadd.s32 $0xFFFFFEF7, lr;
	s5 =	simm.s32 $0xFFFFFFFF;
	p2 =	slt.u32 s8, $0xFFFFF086  }
0x1c: {  	p1 =	slt.u32 s9, $0xF7A;
	s5 =	simm.s32 @!p2 $0x0  }
0x1d: {  	s5 =	simm.s32 @p1 $0x1;
	p0 =	seq.s32 s7, s2  }
0x1e: {  	s7 =	smul.u32 @!p0 $0xF7A, s2;
	p2 =	seq.s32 @!p0 s5, $0x0  }
0x1f: {  	s9 =	smul.u32 $0xF7A, s1;
	s8 =	simm.s32 @!p0 $0x1BF5;
	p2 =	por !p2, p0  }
0x20: {  	[sflag:s8] =	ssyncset.s32 @!p0 $0xFFFFF086;
	s6 =	sadd.s32 @!p0 s3, s7;
	s7 =	simm.s32 @!p0 $0x108  }
0x21: {  	s3 =	sadd.s32 s3, s9;
	s6 =	sadd.s32 @!p0 $0x88, s6;
	s7 =	simm.s32 @p2 $0x1082  }
0x22: {  	[simem:s7], [sflag:s8] =	dma.local @!p0 [hbm:s6], $0xF7A  }
0x23: {  	s9 =	sor.u32 $0xD0000000, s2;
	s6 =	simm.s32 $0x108;
	_ =	swait.ge @!p0 [sflag:s8], $0x0  }
0x24: {  	s3 =	sadd.s32 $0x88, s3;
	s6 =	simm.s32 @!p1 $0x1082;
	[sflag:s4] =	ssyncset.s32 $0xFFFFF086  }
0x25: {  	[simem:s6], [sflag:s4] =	dma.local [hbm:s3], $0xF7A  }
0x26: {  	[smem:$0x3F9F] =	sst s1;
	(tag) =	ssettag s2;
	_ =	strace s9  }
0x27: {  	s1 =	sld [smem:$0x3FAF]  }
0x28: {  	s2 =	sld [smem:$0x3FB0]  }
0x29: {  	s4 =	sld [smem:$0x3FB2]  }
0x2a: {  	p0 =	seq.s32 s5, $0x0;
	s5 =	sld [smem:$0x3FB3]  }
0x2b: {  	s6 =	sld [smem:$0x3FB4]  }
0x2c: {  	s7 =	sld [smem:$0x3FB5]  }
0x2d: {  	s3 =	simm.s32 $0x108;
	s8 =	sld [smem:$0x3FB6]  }
0x2e: {  	s3 =	simm.s32 @!p0 $0x1082;
	s9 =	sld [smem:$0x3FB7]  }
0x2f: {  	lr =	sadd.s32 s0, s3;
	s0 =	sld [smem:$0x3FAE]  }
0x30: {  	s3 =	sld [smem:$0x3FB1]  }
0x31: {  	[smem:$0x3FBA] =	sst s10  }
0x32: {  	s10 =	sld [smem:$0x3FB8];
	_ =	sdelay $0x3  }
0x33: {  	p0 =	seq.s32 s10, $0x1;
	s10 =	sld [smem:$0x3FBA];
	_ =	sdelay $0x3  }
0x34: {  	[smem:$0x3FBA] =	sst s10  }
0x35: {  	s10 =	sld [smem:$0x3FB9];
	_ =	sdelay $0x3  }
0x36: {  	p1 =	seq.s32 s10, $0x1;
	s10 =	sld [smem:$0x3FBA];
	_ =	sdelay $0x3  }
0x37: {  	[smem:$0x3FBA] =	sst s10  }
0x38: {  	s10 =	sld [smem:$0x3FBB]  }
0x39: {  	_ = 	snop;
	(pc) =	sbr.ind lr, $3  }
0x3a: {  	_ = 	snop  }
0x3b: {  	_ = 	snop  }
0x3c: {  	p2 =	seq.s32 s10, $0x1;
	s10 =	sld [smem:$0x3FBA]  }
0x3d: {  	_ =	shalt  }
0x3e: {  	_ =	shalt  }
0x3f: {  	_ =	shalt  }
0x40: {  	_ =	shalt  }
0x41: {  	_ =	shalt  }
0x42: {  	_ =	shalt  }
0x43: {  	_ =	shalt  }
0x44: {  	_ =	shalt  }
0x45: {  	_ =	shalt  }
0x46: {  	_ =	shalt  }
0x47: {  	_ =	shalt  }
0x48: {  	_ =	shalt  }
0x49: {  	_ =	shalt  }
0x4a: {  	_ =	shalt  }
0x4b: {  	_ =	shalt  }
0x4c: {  	_ =	shalt  }
0x4d: {  	_ =	shalt  }
0x4e: {  	_ =	shalt  }
0x4f: {  	_ =	shalt  }
0x50: {  	_ =	shalt  }
0x51: {  	_ =	shalt  }
0x52: {  	_ =	shalt  }
0x53: {  	_ =	shalt  }
0x54: {  	_ =	shalt  }
0x55: {  	_ =	shalt  }
0x56: {  	_ =	shalt  }
0x57: {  	_ =	shalt  }
0x58: {  	_ =	shalt  }
0x59: {  	_ =	shalt  }
0x5a: {  	_ =	shalt  }
0x5b: {  	_ =	shalt  }
0x5c: {  	_ =	shalt  }
0x5d: {  	_ =	shalt  }
0x5e: {  	_ =	shalt  }
0x5f: {  	_ =	shalt  }
0x60: {  	_ =	shalt  }
0x61: {  	_ =	shalt  }
0x62: {  	_ =	shalt  }
0x63: {  	_ =	shalt  }
0x64: {  	_ =	shalt  }
0x65: {  	_ =	shalt  }
0x66: {  	_ =	shalt  }
0x67: {  	_ =	shalt  }
0x68: {  	_ =	shalt  }
0x69: {  	_ =	shalt  }
0x6a: {  	_ =	shalt  }
0x6b: {  	_ =	shalt  }
0x6c: {  	_ =	shalt  }
0x6d: {  	_ =	shalt  }
0x6e: {  	_ =	shalt  }
0x6f: {  	_ =	shalt  }
0x70: {  	_ =	shalt  }
0x71: {  	_ =	shalt  }
0x72: {  	_ =	shalt  }
0x73: {  	_ =	shalt  }
0x74: {  	_ =	shalt  }
0x75: {  	_ =	shalt  }
0x76: {  	_ =	shalt  }
0x77: {  	_ =	shalt  }
0x78: {  	_ =	shalt  }
0x79: {  	_ =	shalt  }
0x7a: {  	_ =	shalt  }
0x7b: {  	_ =	shalt  }
0x7c: {  	_ =	shalt  }
0x7d: {  	_ =	shalt  }
0x7e: {  	_ =	shalt  }
0x7f: {  	_ =	shalt  }
0x80: {  	_ =	shalt  }
0x81: {  	_ =	shalt  }
0x82: {  	_ =	shalt  }
0x83: {  	_ =	shalt  }
0x84: {  	_ =	shalt  }
0x85: {  	_ =	shalt  }
0x86: {  	_ =	shalt  }
0x87: {  	_ =	shalt  }
.Lfunc_end0:
.L_simem_size_0:
called_computation_lowered:
.L_overlay_start_0:
0x88: {  	s2 =	sld [smem:$0x3FD9]  }
0x89: {  	s3 =	sld [smem:$0x3FFE];
	_ =	sdelay $0x1  }
0x8a: {  	s1 =	srdreg.scid  }
0x8b: {  	s0 =	sand.u32 $0x1, s1  }
0x8c: {  	s17 =	sshll.u32 s0, $0xA;
	s2 =	sadd.s32 s3, s2  }
0x8d: {  	s2 =	sadd.s32 s2, s17  }
0x8e: {  	[smem:$0x3FC6] =	sst s2  }
0x8f: {  	_ = 	snop  }
0x90: {  	s2 =	sld [smem:$0x3FC9]  }
0x91: {  	s18 =	sld [smem:$0x3FD0];
	(tm) =	ssettm $0x1  }
0x92: {  	s4 =	sld [smem:$0x3FFB];
	_ =	sdelay $0x3  }
0x93: {  	_ =	strace s4  }
0x94: {  	s4 =	sld [smem:$0x3FFC];
	_ =	sdelay $0x3  }
0x95: {  	_ =	strace s4  }
0x96: {  	s4 =	sld [smem:$0x3FFD];
	_ =	sdelay $0x3  }
0x97: {  	_ =	strace s4  }
0x98: {  	_ =	strace $0x8FFFFFFF  }
0x99: {  	s19 =	sld [smem:$0x3FDB];
	_ =	sdelay $0x1  }
0x9a: {  	s5 =	simm.s32 $_scs_section_size  }
0x9b: {  	s6 =	simm.s32 $_size__tile_overlayer_lowered;
	s7 =	simm.s32 $_tile_overlayer_lowered  }
0x9c: {  	s22 =	simm.s32 $0x1BFF;
	s21 =	sshll.u32 s7, $0x1;
	s4 =	sadd.s32 s5, s19  }
0x9d: {  	s8 =	simm.s32 $0x0;
	s20 =	sshll.u32 s6, $0x1;
	s6 =	sadd.s32 s21, s4  }
0x9e: {  	[timem:s8], [sflag:s22] =	dma.local [hbm:s6], s20  }
0x9f: {  	_ =	swait.ge [sflag:s22], s20  }
0xa0: {  	s5 =	ssub.s32 $0x0, s20;
	[sflag:s22] =	ssyncset.done $0x0  }
0xa1: {  	[sflag:s22] =	ssyncadd.s32 s5;
	_ =	sdelay $0x1  }
0xa2: {  	s23 =	simm.s32 $0x1B8B  }
0xa3: {  	_ =	swait.ge [sflag:s23], $0x1  }
0xa4: {  	[sflag:s23] =	ssyncset.done $0x0  }
0xa5: {  	s25 =	simm.s32 $0x1B8E;
	s24 =	sld [smem:$0x3FFE];
	[sflag:s23] =	ssyncadd.s32 $0xFFFFFFFF  }
0xa6: {  	s26 =	simm.s32 $execute0_lowered;
	[smem:$0x3FD2] =	sst s25  }
0xa7: {  	s6 =	sshll.u32 s26, $0x1;
	_ =	strace $0x80000046;
	[dreg:$0x1] =	wrdreg $0xFFFFFFFF  }
0xa8: {  	s28 =	simm.s32 $_size_execute0_lowered;
	s4 =	sadd.s32 s4, s6;
	[dreg:$0x0] =	wrdreg $0x0  }
0xa9: {  	s6 =	sshll.u32 s28, $0x1;
	[dreg:$0x2] =	wrdreg s4  }
0xaa: {  	[dreg:$0x3] =	wrdreg s6  }
0xab: {  	[dreg:$0x4] =	wrdreg $0xC0  }
0xac: {  	_ =	task [dreg:s8], $0x5FFFF  }
0xad: {  	[dreg:$0x1] =	wrdreg $0xFFFFFFFF  }
0xae: {  	[dreg:$0x0] =	wrdreg $0x60  }
0xaf: {  	[dreg:$0x2] =	wrdreg s24  }
0xb0: {  	[dreg:$0x3] =	wrdreg s2  }
0xb1: {  	[dreg:$0x4] =	wrdreg s18  }
0xb2: {  	[dreg:$0x5] =	wrdreg $0x9  }
0xb3: {  	_ =	task.clear_ibuf [dreg:s8], $0x6FFFF;
	_ =	strace $0x90000046  }
0xb4: {  	s29 =	simm.s32 $0x9;
	_ =	strace $0x80000048  }
0xb5: {  	_ =	swait.ge [sflag:s29], $0x1  }
0xb6: {  	[sflag:s29] =	ssyncadd.s32 $0xFFFFFFFF  }
0xb7: {  	_ =	strace $0x90000048  }
0xb8: {  	_ =	sfence  }
0xb9: {  	s30 =	sld [smem:$0x0];
	_ =	sdelay $0x2  }
0xba: {  	s31 =	sshll.u32 s1, $0xD;
	s1 =	sshrl.u32 s1, $0x2  }
0xbb: {  	s3 =	sand.u32 $0x4000, s31;
	s1 =	sadd.s32 s1, s30  }
0xbc: {  	s0 =	sor.u32 s3, s0;
	s1 =	sshll.u32 s1, $0x11  }
0xbd: {  	s0 =	sor.u32 s1, s0  }
0xbe: {  	s0 =	sadd.s32 $0x8F2B, s0  }
0xbf: {  	[sflag:s0] =	ssyncadd.remote.s32 $0x1  }
0xc0: {  	_ =	sfence.sel $0xFFFF  }
0xc1: {  	[dreg:$0x0] =	wrdreg $0xFFFFFFFF;
	(pc) =	sbr.abs _section_cstart, $3  }
0xc2: {  	[dreg:$0x1] =	wrdreg $0xFFFFFFFF  }
0xc3: {  	_ =	task.clear_ibuf [dreg:s8], $0x2FFFF;
	_ =	strace $0x9FFFFFFF  }
0xc4: {  	(tm) =	ssettm $0x7FFFFFFF  }
0xc5: {  	_ =	shalt  }
tec
execute0_lowered:
.L_overlay_start_1:
0x0: {  	(tag) =	ssettag $0x1  }
0x1: {  	s0 =	rddreg [dreg:$0x1]  }
0x2: {  	s2 =	rddreg [dreg:$0x2];
	s3 =	simm.s32 $0x0  }
0x3: {  	s4 =	srdreg.scid;
	s1 =	stileid.u32;
	s13 =	simm.s32 $0x5  }
0x4: {  	s14 =	simm.s32 $0x80;
	s15 =	simm.s32 $0x400;
	s16 =	simm.s32 $0x1400  }
0x5: {  	s17 =	simm.s32 $0x1;
	s18 =	simm.s32 $0x2400;
	s19 =	simm.s32 $0x2  }
0x6: {  	s20 =	simm.s32 $0x4;
	s21 =	simm.s32 $0xA400;
	s22 =	simm.s32 $0x3  }
0x7: {  	s23 =	simm.s32 $0x0;
	[smem:$0x7FF] =	sst s3;
	s4 =	sand.u32 $0x1, s4  }
0x8: {  	s7 =	sshll.u32 s1, $0x1;
	s8 =	sshll.u32 s1, $0x2;
	s5 =	ssub.s32 $0x2, s4  }
0x9: {  	s31 =	sshll.u32 s1, $0xD;
	_ =	strace $0x80000047;
	s6 =	sshrl.u32 s5, $0x1  }
0xa: {  	s29 =	sand.u32 $0x30, s8;
	s11 =	ssub.s32 s5, s6;
	s5 =	sor.u32 s4, s7  }
0xb: {  	s6 =	sadd.s32 s0, s29;
	s7 =	sor.u32 $0x40, s7;
	s4 =	sand.u32 $0x18000, s31  }
0xc: {  	s30 =	sand.u32 $0x7, s5;
	s4 =	sadd.s32 s2, s4;
	s11 =	smax.u32 s11, $0x1  }
0xd: {  	s12 =	sadd.s32 $0x40, s6;
	s8 =	sshll.u32 s30, $0x7;
	s10 =	sshll.u32 s30, $0xC  }
0xe: {  	s9 =	sshll.u32 s30, $0xF;
	p0 =	sne.s32 s30, $0x0;
	s10 =	sadd.s32 s10, s4  }
.LBB2_1:
0xf: {  	s0 =	rddreg [dreg:$0x0]  }
0x10: {  	[tilespmem:s3], [sflag:$0x5] =	stream.linear.gather [hbm4b:s0+s3], $0x400, $0x38;
	[tilespmem:$0x12400] =	vst v63  }
0x11: {  	_ =	swait.ge [sflag:s13], $0x400  }
0x12: {  	[sflag:s13] =	ssyncset.done $0x0  }
0x13: {  	s24 =	simm.s32 $0x0;
	[sflag:s13] =	ssyncadd.s32 $0xFFFFFC00  }
0x14: {  	[tilespmem:s15], [sflag:$0x1] =	stream.strided.gather [hbm4b:s6+s14], $0x1000, s15, s14, $0x38;
	[tilespmem:$0x12400] =	vst v63  }
.LBB2_2:
0x15: {  	s0 =	sshll.u32 s24, $0xC  }
0x16: {  	s0 =	sand.u32 $0xFFFF000, s0  }
0x17: {  	s0 =	sadd.s32 s0, s12  }
0x18: {  	[tilespmem:s16], [sflag:$0x2] =	stream.strided.gather [hbm4b:s0+s14], $0x1000, s15, s14, $0x38;
	[tilespmem:$0x12400] =	vst v63  }
0x19: {  	_ =	swait.ge [sflag:s17], $0x1000  }
0x1a: {  	p1 =	seq.s32 s24, $0x0;
	[sflag:s17] =	ssyncset.done $0x0  }
0x1b: {  	s0 =	simm.s32 @!p1 $0x3;
	[sflag:s17] =	ssyncadd.s32 $0xFFFFF000  }
0x1c: {  	_ =	swait.ge @!p1 [sflag:s0], $0x8000  }
0x1d: {  	s1 =	simm.s32 $0x0;
	s4 =	simm.s32 $0x0;
	[sflag:s0] =	ssyncset.done @!p1 $0x0  }
0x1e: {  	s4 =	sand.u32 $0x3FFFFF80, s4;
	[sflag:s0] =	ssyncadd.s32 @!p1 $0xFFFF8000;
	s0 =	sand.u32 $0x70, s1  }
0x1f: {  	v1 =	vld [tilespmem:s8+$0x0];
	s4 =	sor.u32 s0, s4  }
0x20: {  	v8 =	vld [tilespmem:s4+$0x400]  }
0x21: {  	v4 =	vld [tilespmem:s8+$0x10]  }
0x22: {  	v7 =	vld [tilespmem:s8+$0x20]  }
0x23: {  	v5 =	vld [tilespmem:s8+$0x30]  }
0x24: {  	s25 =	simm.s32 $0x0;
	v2 =	vld [tilespmem:s8+$0x40]  }
0x25: {  	v0 =	vld [tilespmem:s8+$0x50];
	s4 =	sand.u32 $0x3FFFFC00, s25;
	v9 =	vperm.xlane v1, v8  }
0x26: {  	s26 =	sshll.u32 s24, $0x6;
	v3 =	vld [tilespmem:s8+$0x60];
	s29 =	sor.u32 s0, s4;
	v10 =	vperm.xlane v4, v8  }
0x27: {  	v6 =	vld [tilespmem:s8+$0x70];
	s25 =	sor.u32 s5, s26;
	v11 =	vperm.xlane v7, v8;
	[tilespmem:s29+$0x2400] =	vst v9  }
0x28: {  	p2 =	seq.s32 s25, $0x0;
	v9 =	vperm.xlane v5, v8;
	[tilespmem:s29+$0x2480] =	vst v10  }
0x29: {  	s30 =	simm.s32 $0x1;
	s31 =	simm.s32 $0x2;
	p2 =	por !p0, !p2;
	v10 =	vperm.xlane v2, v8;
	[tilespmem:s29+$0x2500] =	vst v11  }
0x2a: {  	s1 =	sshll.u32 s24, $0x12;
	s0 =	simm.s32 $0x1;
	p2 =	por !p2, !p2;
	v11 =	vperm.xlane v0, v8;
	[tilespmem:s29+$0x2580] =	vst v9  }
0x2b: {  	s28 =	sshrl.u32 s25, $0x3;
	s25 =	sor.u32 $0x20000, s1;
	s0 =	simm.s32 @!p2 $0x0;
	[tilespmem:s29+$0x2600] =	vst v10;
	v9 =	vperm.xlane v3, v8  }
0x2c: {  	s4 =	simm.s32 $0x10;
	s28 =	ssub.s32 s28, s0;
	s0 =	simm.s32 $0x10;
	v8 =	vperm.xlane v6, v8;
	[tilespmem:s29+$0x2680] =	vst v11  }
.LBB2_3:
0x2d: {  	p2 =	sne.s32 s31, $0xFF;
	s1 =	sand.u32 $0x70, s0;
	s4 =	sand.u32 $0x3FFFFF80, s4;
	[tilespmem:s29+$0x2700] =	vst v9  }
0x2e: {  	s4 =	sor.u32 s1, s4;
	[tilespmem:s29+$0x2780] =	vst v8  }
0x2f: {  	v8 =	vld [tilespmem:s4+$0x400];
	_ =	sdelay $0x3  }
0x30: {  	s4 =	sshll.u32 s30, $0x7;
	s30 =	smov.u32 s31  }
0x31: {  	s4 =	sand.u32 $0x3FFFFC00, s4;
	v9 =	vperm.xlane v1, v8;
	v10 =	vperm.xlane v4, v8  }
0x32: {  	s29 =	sor.u32 s1, s4;
	v11 =	vperm.xlane v7, v8;
	v12 =	vperm.xlane v5, v8  }
0x33: {  	v13 =	vperm.xlane v2, v8;
	v14 =	vperm.xlane v0, v8;
	[tilespmem:s29+$0x2400] =	vst v9  }
.Ltmp0:
0x34: {  	v9 =	vperm.xlane v3, v8;
	v8 =	vperm.xlane v6, v8;
	[tilespmem:s29+$0x2480] =	vst v10;
	(pc) =	sbr.rel @p2 .LBB2_3-.Ltmp0, $4  }
0x35: {  	[tilespmem:s29+$0x2500] =	vst v11  }
0x36: {  	[tilespmem:s29+$0x2580] =	vst v12  }
0x37: {  	[tilespmem:s29+$0x2600] =	vst v13  }
0x38: {  	s0 =	sadd.s32 $0x10, s0;
	s31 =	sadd.s32 $0x1, s31;
	s4 =	sshll.u32 s30, $0x4;
	[tilespmem:s29+$0x2680] =	vst v14  }
0x39: {  	s0 =	sand.u32 $0x70, s0;
	s1 =	sand.u32 $0x3FFFFF80, s4;
	[tilespmem:s29+$0x2700] =	vst v9  }
0x3a: {  	[tilespmem:s29+$0x2780] =	vst v8;
	s1 =	sor.u32 s0, s1  }
0x3b: {  	v8 =	vld [tilespmem:s1+$0x400];
	_ =	sdelay $0x3  }
0x3c: {  	s29 =	sshll.u32 s30, $0x7  }
0x3d: {  	s1 =	sand.u32 $0x3FFFFC00, s29;
	v1 =	vperm.xlane v1, v8  }
0x3e: {  	s0 =	sor.u32 s0, s1;
	v4 =	vperm.xlane v4, v8  }
0x3f: {  	v7 =	vperm.xlane v7, v8;
	[tilespmem:s0+$0x2400] =	vst v1  }
0x40: {  	v61 =	vperm.xlane v5, v8;
	[tilespmem:s0+$0x2480] =	vst v4  }
0x41: {  	v2 =	vperm.xlane v2, v8;
	[tilespmem:s0+$0x2500] =	vst v7  }
0x42: {  	p2 =	sne.s32 s24, $0x18;
	v0 =	vperm.xlane v0, v8;
	[tilespmem:s0+$0x2580] =	vst v61  }
.Ltmp1:
0x43: {  	s30 =	sshll.u32 s28, $0x12;
	v62 =	vperm.xlane v3, v8;
	[tilespmem:s0+$0x2600] =	vst v2;
	(pc) =	sbr.rel @p2 .LBB2_6-.Ltmp1, $4  }
0x44: {  	s1 =	sor.u32 s9, s30;
	v63 =	vperm.xlane v6, v8;
	[tilespmem:s0+$0x2680] =	vst v0  }
0x45: {  	s1 =	sshrl.u32 s1, $0x3;
	[tilespmem:s0+$0x2700] =	vst v62  }
0x46: {  	s31 =	sadd.s32 s2, s1;
	[tilespmem:s0+$0x2780] =	vst v63  }
0x47: {  	[hbm4b:s31+s3] =	stream.linear.scatter [tilespmem:s18], [sflag:$0x3], $0x8000, $0x38;
	[tilespmem:$0x12400] =	vst v63  }
.Ltmp2:
0x48: {  	(pc) =	sbr.rel .LBB2_7-.Ltmp2, $4  }
0x49: {  	_ = 	snop  }
0x4a: {  	_ =	swait.ge [sflag:s19], $0x1000  }
0x4b: {  	[sflag:s19] =	ssyncset.done $0x0  }
0x4c: {  	[sflag:s19] =	ssyncadd.s32 $0xFFFFF000  }
.LBB2_6:
0x4d: {  	s0 =	sadd.s32 s7, s26  }
0x4e: {  	s0 =	sshll.u32 s0, $0x6  }
0x4f: {  	s0 =	sand.u32 $0xFFFF000, s0  }
.Ltmp3:
0x50: {  	s0 =	sadd.s32 s0, s6;
	(pc) =	sbr.rel @p1 .LBB2_8-.Ltmp3, $4  }
0x51: {  	[tilespmem:s15], [sflag:$0x1] =	stream.strided.gather [hbm4b:s0+s14], $0x1000, s15, s14, $0x38;
	[tilespmem:$0x12400] =	vst v63  }
0x52: {  	_ =	swait.ge [sflag:s19], $0x1000  }
0x53: {  	[sflag:s19] =	ssyncset.done $0x0  }
0x54: {  	[sflag:s19] =	ssyncadd.s32 $0xFFFFF000  }
.LBB2_7:
0x55: {  	_ =	swait.ge [sflag:s20], $0x8000  }
0x56: {  	[sflag:s20] =	ssyncset.done $0x0  }
0x57: {  	[sflag:s20] =	ssyncadd.s32 $0xFFFF8000  }
.LBB2_8:
0x58: {  	s0 =	simm.s32 $0x0;
	s1 =	simm.s32 $0x0  }
0x59: {  	s0 =	sand.u32 $0x70, s0;
	s1 =	sand.u32 $0x3FFFFF80, s1  }
0x5a: {  	v2 =	vld [tilespmem:s8+$0x0];
	s1 =	sor.u32 s0, s1  }
0x5b: {  	v8 =	vld [tilespmem:s1+$0x1400]  }
0x5c: {  	v5 =	vld [tilespmem:s8+$0x10]  }
0x5d: {  	v7 =	vld [tilespmem:s8+$0x20]  }
0x5e: {  	v6 =	vld [tilespmem:s8+$0x30]  }
0x5f: {  	v3 =	vld [tilespmem:s8+$0x40];
	s31 =	simm.s32 $0x0  }
0x60: {  	v0 =	vld [tilespmem:s8+$0x50];
	s1 =	sand.u32 $0x3FFFFC00, s31;
	v9 =	vperm.xlane v2, v8  }
0x61: {  	v1 =	vld [tilespmem:s8+$0x60];
	s28 =	sor.u32 s0, s1;
	v10 =	vperm.xlane v5, v8  }
0x62: {  	v4 =	vld [tilespmem:s8+$0x70];
	v11 =	vperm.xlane v7, v8;
	[tilespmem:s28+$0xA400] =	vst v9  }
0x63: {  	v9 =	vperm.xlane v6, v8;
	[tilespmem:s28+$0xA480] =	vst v10  }
0x64: {  	v10 =	vperm.xlane v3, v8;
	[tilespmem:s28+$0xA500] =	vst v11  }
0x65: {  	v11 =	vperm.xlane v0, v8;
	[tilespmem:s28+$0xA580] =	vst v9  }
0x66: {  	s26 =	simm.s32 $0x1;
	[tilespmem:s28+$0xA600] =	vst v10;
	v9 =	vperm.xlane v1, v8  }
0x67: {  	s4 =	simm.s32 $0x10;
	s29 =	simm.s32 $0x2;
	s0 =	simm.s32 $0x10;
	v8 =	vperm.xlane v4, v8;
	[tilespmem:s28+$0xA680] =	vst v11  }
.LBB2_9:
0x68: {  	p1 =	sne.s32 s29, $0xFF;
	s1 =	sand.u32 $0x70, s0;
	s4 =	sand.u32 $0x3FFFFF80, s4;
	[tilespmem:s28+$0xA700] =	vst v9  }
0x69: {  	s4 =	sor.u32 s1, s4;
	[tilespmem:s28+$0xA780] =	vst v8  }
0x6a: {  	v8 =	vld [tilespmem:s4+$0x1400];
	_ =	sdelay $0x3  }
0x6b: {  	s4 =	sshll.u32 s26, $0x7;
	s26 =	smov.u32 s29  }
0x6c: {  	s4 =	sand.u32 $0x3FFFFC00, s4;
	v9 =	vperm.xlane v2, v8;
	v10 =	vperm.xlane v5, v8  }
0x6d: {  	s28 =	sor.u32 s1, s4;
	v11 =	vperm.xlane v7, v8;
	v12 =	vperm.xlane v6, v8  }
0x6e: {  	v13 =	vperm.xlane v3, v8;
	v14 =	vperm.xlane v0, v8;
	[tilespmem:s28+$0xA400] =	vst v9  }
.Ltmp4:
0x6f: {  	v9 =	vperm.xlane v1, v8;
	v8 =	vperm.xlane v4, v8;
	[tilespmem:s28+$0xA480] =	vst v10;
	(pc) =	sbr.rel @p1 .LBB2_9-.Ltmp4, $4  }
0x70: {  	[tilespmem:s28+$0xA500] =	vst v11  }
0x71: {  	[tilespmem:s28+$0xA580] =	vst v12  }
0x72: {  	[tilespmem:s28+$0xA600] =	vst v13  }
0x73: {  	s0 =	sadd.s32 $0x10, s0;
	s29 =	sadd.s32 $0x1, s29;
	s4 =	sshll.u32 s26, $0x4;
	[tilespmem:s28+$0xA680] =	vst v14  }
0x74: {  	s0 =	sand.u32 $0x70, s0;
	s1 =	sand.u32 $0x3FFFFF80, s4;
	[tilespmem:s28+$0xA700] =	vst v9  }
0x75: {  	[tilespmem:s28+$0xA780] =	vst v8;
	s1 =	sor.u32 s0, s1  }
0x76: {  	v8 =	vld [tilespmem:s1+$0x1400];
	_ =	sdelay $0x3  }
0x77: {  	s30 =	sshll.u32 s26, $0x7  }
0x78: {  	s1 =	sand.u32 $0x3FFFFC00, s30;
	v2 =	vperm.xlane v2, v8  }
0x79: {  	s0 =	sor.u32 s0, s1;
	v5 =	vperm.xlane v5, v8  }
0x7a: {  	v7 =	vperm.xlane v7, v8;
	[tilespmem:s0+$0xA400] =	vst v2  }
0x7b: {  	v62 =	vperm.xlane v6, v8;
	[tilespmem:s0+$0xA480] =	vst v5  }
0x7c: {  	s24 =	sadd.s32 $0x1, s24;
	v3 =	vperm.xlane v3, v8;
	[tilespmem:s0+$0xA500] =	vst v7  }
0x7d: {  	p1 =	sne.s32 s24, $0x19;
	v0 =	vperm.xlane v0, v8;
	[tilespmem:s0+$0xA580] =	vst v62  }
.Ltmp5:
0x7e: {  	v1 =	vperm.xlane v1, v8;
	[tilespmem:s0+$0xA600] =	vst v3;
	(pc) =	sbr.rel @p1 .LBB2_2-.Ltmp5, $4  }
0x7f: {  	v63 =	vperm.xlane v4, v8;
	[tilespmem:s0+$0xA680] =	vst v0  }
0x80: {  	[tilespmem:s0+$0xA700] =	vst v1  }
0x81: {  	s31 =	sadd.s32 s25, s10;
	[tilespmem:s0+$0xA780] =	vst v63  }
0x82: {  	[hbm4b:s31+s3] =	stream.linear.scatter [tilespmem:s21], [sflag:$0x4], $0x8000, $0x38;
	[tilespmem:$0x12400] =	vst v63  }
0x83: {  	s23 =	sadd.s32 $0x1, s23  }
0x84: {  	_ =	swait.ge [sflag:s22], $0x8000;
	p1 =	sne.s32 s23, s11  }
.Ltmp6:
0x85: {  	[sflag:s22] =	ssyncset.done $0x0;
	(pc) =	sbr.rel @p1 .LBB2_1-.Ltmp6, $4  }
0x86: {  	[sflag:s22] =	ssyncadd.s32 $0xFFFF8000  }
0x87: {  	_ =	swait.ge [sflag:s20], $0x8000  }
0x88: {  	[sflag:s20] =	ssyncset.done $0x0  }
0x89: {  	[sflag:s20] =	ssyncadd.s32 $0xFFFF8000  }
0x8a: {  	_ =	sfence.sel $0x180000  }
0x8b: {  	[bflag:$0x0] =	sbarrier.arrive $0xFFFF  }
0x8c: {  	_ =	strace $0x90000047  }
0x8d: {  	s0 =	stileid.u32;
	[bflag:$0x2] =	sbarrier.arrive $0xFFFF  }
0x8e: {  	p0 =	sne.s32 s0, $0x0;
	s0 =	rddreg [dreg:$0x3]  }
0x8f: {  	s0 =	sadd.s32 @!p0 $0x100000, s0  }
0x90: {  	[sflag:s0] =	ssyncadd.tile.s32 @!p0 $0x1;
	_ =	shalt  }
.Lfunc_end2:
_tile_overlayer_lowered:
.L_overlay_start_2:
0x91: {  	(tag) =	ssettag $0x2  }
0x92: {  	s0 =	rddreg [dreg:$0x0];
	s2 =	stileid.u32  }
0x93: {  	s1 =	rddreg [dreg:$0x1];
	p0 =	sne.s32 s2, $0x0  }
0x94: {  	s3 =	rddreg [dreg:$0x2];
	[bflag:$0x3] =	sbarrier.arrive $0xFFFF;
	s2 =	simm.s32 @!p0 $0x1C05  }
0x95: {  	[timem:s3], [sflag:s2] =	dma.local @!p0 [hbm:s0], s1  }
0x96: {  	s0 =	simm.s32 @!p0 $0x5  }
0x97: {  	_ =	swait.ge @!p0 [sflag:s0], s1  }
0x98: {  	s1 =	ssub.s32 @!p0 $0x0, s1;
	[sflag:s0] =	ssyncset.done @!p0 $0x0  }
0x99: {  	[sflag:s0] =	ssyncadd.s32 @!p0 s1  }
0x9a: {  	[bflag:$0x3] =	sbarrier.arrive $0xFFFF  }
0x9b: {  	_ =	shalt  }

</sc_bundles>
